<compile_context>
chip_gen: v7x
topology: tpu7x:2x2x1
jax: 0.10.2.dev20260603
libtpu: 0.0.44.dev20260713+nightly
codegen_flags: <defaults>
</compile_context>

<pallas_src>
import functools

import jax
import jax.numpy as jnp
from jax import lax
from jax.experimental import pallas as pl
from jax.experimental.pallas import tpu as pltpu
from jax.experimental.pallas import tpu_sc as plsc

_NC = 2
_NS = 16
_NW = _NC * _NS
_BB = 128
_BPT0 = 40
_BPT1 = 40


def _matmul_body(x_ref, w_ref, y_ref):
    y_ref[0] = jnp.dot(x_ref[...], w_ref[0], preferred_element_type=jnp.float32)


def _combine_pair_body(p_ref, b_ref, o_ref):
    o_ref[...] = p_ref[0] + p_ref[1] + b_ref[...]


def _combine_final_body(h_ref, q_ref, o_ref):
    o_ref[...] = h_ref[...] + q_ref[0] + q_ref[1]


def _make_sc_scatter(n_acc, cout, bpt):
    rpt = n_acc // _NS

    mesh = plsc.VectorSubcoreMesh(
        core_axis_name="c", subcore_axis_name="s",
        num_cores=_NC, num_subcores=_NS)

    @functools.partial(
        pl.kernel,
        out_type=jax.ShapeDtypeStruct((_NC, n_acc, cout), jnp.float32),
        mesh=mesh,
        scratch_types=[
            pltpu.VMEM((bpt, _BB), jnp.int32),
            pltpu.VMEM((bpt, _BB), jnp.int32),
            pltpu.VMEM((2, _BB, cout), jnp.float32),
            pltpu.VMEM_SHARED((n_acc, cout), jnp.float32),
            pltpu.SemaphoreType.DMA,
            pltpu.SemaphoreType.DMA,
        ],
    )
    def sc_scatter(y_hbm, gidx_hbm, omap_hbm, out_hbm,
                   gidx_v, omap_v, rows_v, acc_sh, gs0, gs1):
        cid = lax.axis_index("c")
        sid = lax.axis_index("s")
        wid = cid * _NS + sid

        gsems = (gs0, gs1)

        def gather(j, b):
            return pltpu.async_copy(y_hbm.at[gidx_v.at[j]], rows_v.at[b],
                                    gsems[b])

        def gather_wait(j, b):
            pltpu.make_async_copy(y_hbm.at[gidx_v.at[j]], rows_v.at[b],
                                  gsems[b]).wait()

        def scatter_sync(j, b):
            pltpu.sync_copy(rows_v.at[b], acc_sh.at[omap_v.at[j]], add=True)

        pltpu.sync_copy(gidx_hbm.at[pl.ds(wid * bpt, bpt)], gidx_v)
        pltpu.sync_copy(omap_hbm.at[pl.ds(wid * bpt, bpt)], omap_v)
        gather(1, 1)

        zero = jnp.zeros((16,), jnp.float32)

        @pl.loop(0, _BB)
        def _zero_rows(r):
            for q in range(cout // 16):
                rows_v[0, r, pl.ds(q * 16, 16)] = zero

        for t in range(rpt // _BB):
            pltpu.sync_copy(rows_v.at[0],
                            acc_sh.at[pl.ds(sid * rpt + t * _BB, _BB)])
        gather(0, 0)
        plsc.subcore_barrier()

        @pl.loop(0, bpt // 2)
        def _pairs(jj):
            j0 = jj * 2
            j1 = j0 + 1
            gather_wait(j0, 0)
            scatter_sync(j0, 0)

            @pl.when(jj < bpt // 2 - 1)
            def _():
                gather(j0 + 2, 0)

            gather_wait(j1, 1)
            scatter_sync(j1, 1)

            @pl.when(jj < bpt // 2 - 1)
            def _():
                gather(j1 + 2, 1)

        plsc.subcore_barrier()
        pltpu.sync_copy(acc_sh.at[pl.ds(sid * rpt, rpt)],
                        out_hbm.at[cid, pl.ds(sid * rpt, rpt)])

    return sc_scatter


def _matmul(x, w, bm):
    n, cin = x.shape
    nk, _, cout = w.shape
    y = pl.pallas_call(
        _matmul_body,
        grid=(n // bm, nk),
        in_specs=[
            pl.BlockSpec((bm, cin), lambda i, k: (i, 0)),
            pl.BlockSpec((1, cin, cout), lambda i, k: (k, 0, 0)),
        ],
        out_specs=pl.BlockSpec((1, bm, cout), lambda i, k: (k, i, 0)),
        out_shape=jax.ShapeDtypeStruct((nk, n, cout), jnp.float32),
    )(x, w)
    return y.reshape(nk * n, cout)


def kernel(x, imap, omap, kernel, bias):
    n, cin = x.shape
    kvol, epk = imap.shape
    cout = kernel.shape[2]

    e_total = kvol * epk
    e0 = _NW * _BPT0 * _BB
    e1 = _NW * _BPT1 * _BB
    n_acc = ((n + _NS * _BB - 1) // (_NS * _BB)) * (_NS * _BB)

    k0 = -(-e0 // epk)
    k1 = e0 // epk

    gidx = (jnp.arange(kvol, dtype=jnp.int32)[:, None] * n + imap).ravel()
    omap_f = omap.ravel()
    pad = e0 + e1 - e_total
    pad_ids = jnp.arange(pad, dtype=jnp.int32)
    gidx = jnp.concatenate([gidx, k1 * n + (pad_ids * 53) % ((kvol - k1) * n)])
    omap_f = jnp.concatenate([omap_f, n + pad_ids % (n_acc - n)])

    gidx0 = gidx[:e0].reshape(e0 // _BB, _BB)
    omap0 = omap_f[:e0].reshape(e0 // _BB, _BB)
    gidx1 = (gidx[e0:] - k1 * n).reshape(e1 // _BB, _BB)
    omap1 = omap_f[e0:].reshape(e1 // _BB, _BB)

    bm = 2000
    y0 = _matmul(x, kernel[:k0], bm)
    y1 = _matmul(x, kernel[k1:], bm)
    p0 = _make_sc_scatter(n_acc, cout, _BPT0)(y0, gidx0, omap0)
    p1 = _make_sc_scatter(n_acc, cout, _BPT1)(y1, gidx1, omap1)

    br = 1000
    half = pl.pallas_call(
        _combine_pair_body,
        grid=(n // br,),
        in_specs=[
            pl.BlockSpec((_NC, br, cout), lambda i: (0, i, 0)),
            pl.BlockSpec((1, cout), lambda i: (0, 0)),
        ],
        out_specs=pl.BlockSpec((br, cout), lambda i: (i, 0)),
        out_shape=jax.ShapeDtypeStruct((n, cout), jnp.float32),
    )(p0, bias.reshape(1, cout))
    out = pl.pallas_call(
        _combine_final_body,
        grid=(n // br,),
        in_specs=[
            pl.BlockSpec((br, cout), lambda i: (i, 0)),
            pl.BlockSpec((_NC, br, cout), lambda i: (0, i, 0)),
        ],
        out_specs=pl.BlockSpec((br, cout), lambda i: (i, 0)),
        out_shape=jax.ShapeDtypeStruct((n, cout), jnp.float32),
    )(half, p1)
    return out

# --- scband reference (transcript-rebuilt; emitter-appended) ---
"""Pipeline reference for scband-conv3d-56392920596825 (READ-ONLY COPY).

The authoritative reference and input builder live on the scoring server;
editing this copy changes nothing except your own understanding.
"""

import jax, jax.numpy as jnp
import numpy as np

N = 10000      # number of active (nonzero) voxels
CIN = 128      # in_channel
COUT = 128     # out_channel
KVOL = 27      # kernel volume for 3x3x3 sparse conv
EPK = 11852    # mapped (input, output) pairs per kernel offset


def setup_inputs(seed: int = 0) -> dict:
    key = jax.random.key(seed)
    k1, k2, k3, k4, k5 = jax.random.split(key, 5)
    x = jax.random.normal(k1, (N, CIN), dtype=jnp.float32)
    # kernel map: for each of the 27 kernel offsets, which input voxel
    # contributes to which output voxel (gather -> GEMM -> scatter-add)
    imap = jax.random.randint(k2, (KVOL, EPK), 0, N, dtype=jnp.int32)
    omap = jax.random.randint(k3, (KVOL, EPK), 0, N, dtype=jnp.int32)
    # learned parameters: per-offset weight matrices and bias
    kernel = (jax.random.normal(k4, (KVOL, CIN, COUT), dtype=jnp.float32) * 0.05)
    bias = jax.random.normal(k5, (COUT,), dtype=jnp.float32) * 0.05
    return {"x": x, "imap": imap, "omap": omap, "kernel": kernel, "bias": bias}


def reference(x, imap, omap, kernel, bias):
    # Faithful translation of the sparse 3D conv compute path (conv_d1/conv_d2):
    # for each kernel offset k: gather input feats via imap[k], multiply by
    # the k-th weight slice, scatter-add into output rows via omap[k].
    # (stride=[1,1,1], non-transposed => output coords == input coords, out_nnz == N)
    out = jnp.zeros((N, COUT), dtype=x.dtype)
    for k in range(KVOL):
        gathered = jnp.take(x, imap[k], axis=0)        # [EPK, CIN] gather
        partial = gathered @ kernel[k]                  # [EPK, COUT] GEMM
        out = out.at[omap[k]].add(partial)              # scatter-add
    out = out + bias
    return out

if __name__ == "__main__":
    import jax
    _d = setup_inputs()
    print(jax.jit(kernel)(*tuple(_d.values())))

</pallas_src>

<mosaic_0001>
#map = affine_map<(d0, d1) -> (0, 0)>
#map1 = affine_map<(d0, d1) -> (0, 0, 0)>
module attributes {stable_mosaic.version = 14 : i64} {
  func.func @sc_scatter(%arg0: i32, %arg1: i32, %arg2: memref<140000x128xf32, #tpu.memory_space<hbm>>, %arg3: memref<1280x128xi32, #tpu.memory_space<hbm>>, %arg4: memref<1280x128xi32, #tpu.memory_space<hbm>>, %arg5: memref<2x10240x128xf32, #tpu.memory_space<hbm>>, %arg6: memref<40x128xi32, #tpu.memory_space<vmem>>, %arg7: memref<40x128xi32, #tpu.memory_space<vmem>>, %arg8: memref<2x128x128xf32, #tpu.memory_space<vmem>>, %arg9: memref<10240x128xf32, #tpu.memory_space<vmem_shared>>, %arg10: memref<!tpu.dma_semaphore, #tpu.memory_space<semaphore_mem>>, %arg11: memref<!tpu.dma_semaphore, #tpu.memory_space<semaphore_mem>>) attributes {dimension_semantics = [#tpu.dimension_semantics<core_parallel>, #tpu.dimension_semantics<subcore_parallel>], iteration_bounds = array<i64: 2, 16>, scalar_prefetch = 0 : i64, scratch_operands = 6 : i64, tpu.core_type = #tpu.core_type<sc_vector_subcore>, window_params = [{transform_indices = #map}, {transform_indices = #map}, {transform_indices = #map}, {transform_indices = #map1}]} {
    %mul3A = arith.constant 16 : i32
    %mul3A_0 = arith.muli %arg0, %mul3A : i32
    %add3A = arith.addi %mul3A_0, %arg1 : i32
    %mul3A_1 = arith.constant 40 : i32
    %mul3A_2 = arith.muli %add3A, %mul3A_1 : i32
    "tpu.region"() ({
      %run_scoped3A_67 = tpu.sem_alloc : memref<!tpu.dma_semaphore, #tpu.memory_space<semaphore_mem>>
      %dma_start3A_68 = arith.constant 0 : i32
      %dma_start3A_69 = tpu.memref_slice %arg3[%mul3A_2, %dma_start3A_68] : memref<1280x128xi32, #tpu.memory_space<hbm>> -> memref<40x128xi32, #tpu.memory_space<hbm>>
      %dma_start3A_70 = arith.constant 0 : i32
      %dma_start3A_71 = tpu.memref_slice %arg3[%mul3A_2, %dma_start3A_70] : memref<1280x128xi32, #tpu.memory_space<hbm>> -> memref<40x128xi32, #tpu.memory_space<hbm>>
      tpu.enqueue_dma source(%dma_start3A_71 : memref<40x128xi32, #tpu.memory_space<hbm>>) target(%arg6 : memref<40x128xi32, #tpu.memory_space<vmem>>) target_semaphore(%run_scoped3A_67 : memref<!tpu.dma_semaphore, #tpu.memory_space<semaphore_mem>>)
      %dma_wait3A = arith.constant 0 : i32
      %dma_wait3A_72 = tpu.memref_slice %arg3[%mul3A_2, %dma_wait3A] : memref<1280x128xi32, #tpu.memory_space<hbm>> -> memref<40x128xi32, #tpu.memory_space<hbm>>
      %dma_wait3A_73 = arith.constant 0 : i32
      %dma_wait3A_74 = tpu.memref_slice %arg3[%mul3A_2, %dma_wait3A_73] : memref<1280x128xi32, #tpu.memory_space<hbm>> -> memref<40x128xi32, #tpu.memory_space<hbm>>
      tpu.wait_dma2 semaphore(%run_scoped3A_67 : memref<!tpu.dma_semaphore, #tpu.memory_space<semaphore_mem>>) src(%dma_wait3A_74 : memref<40x128xi32, #tpu.memory_space<hbm>>) dst(%arg6 : memref<40x128xi32, #tpu.memory_space<vmem>>)
      tpu.yield
    }) : () -> ()
    %mul3A_3 = arith.constant 40 : i32
    %mul3A_4 = arith.muli %add3A, %mul3A_3 : i32
    "tpu.region"() ({
      %run_scoped3A_67 = tpu.sem_alloc : memref<!tpu.dma_semaphore, #tpu.memory_space<semaphore_mem>>
      %dma_start3A_68 = arith.constant 0 : i32
      %dma_start3A_69 = tpu.memref_slice %arg4[%mul3A_4, %dma_start3A_68] : memref<1280x128xi32, #tpu.memory_space<hbm>> -> memref<40x128xi32, #tpu.memory_space<hbm>>
      %dma_start3A_70 = arith.constant 0 : i32
      %dma_start3A_71 = tpu.memref_slice %arg4[%mul3A_4, %dma_start3A_70] : memref<1280x128xi32, #tpu.memory_space<hbm>> -> memref<40x128xi32, #tpu.memory_space<hbm>>
      tpu.enqueue_dma source(%dma_start3A_71 : memref<40x128xi32, #tpu.memory_space<hbm>>) target(%arg7 : memref<40x128xi32, #tpu.memory_space<vmem>>) target_semaphore(%run_scoped3A_67 : memref<!tpu.dma_semaphore, #tpu.memory_space<semaphore_mem>>)
      %dma_wait3A = arith.constant 0 : i32
      %dma_wait3A_72 = tpu.memref_slice %arg4[%mul3A_4, %dma_wait3A] : memref<1280x128xi32, #tpu.memory_space<hbm>> -> memref<40x128xi32, #tpu.memory_space<hbm>>
      %dma_wait3A_73 = arith.constant 0 : i32
      %dma_wait3A_74 = tpu.memref_slice %arg4[%mul3A_4, %dma_wait3A_73] : memref<1280x128xi32, #tpu.memory_space<hbm>> -> memref<40x128xi32, #tpu.memory_space<hbm>>
      tpu.wait_dma2 semaphore(%run_scoped3A_67 : memref<!tpu.dma_semaphore, #tpu.memory_space<semaphore_mem>>) src(%dma_wait3A_74 : memref<40x128xi32, #tpu.memory_space<hbm>>) dst(%arg7 : memref<40x128xi32, #tpu.memory_space<vmem>>)
      tpu.yield
    }) : () -> ()
    %dma_start3A = arith.constant 1 : i32
    %dma_start3A_5 = arith.constant 1 : i32
    %dma_start3A_6 = arith.constant 0 : i32
    %dma_start3A_7 = arith.constant 0 : i32
    %dma_start3A_8 = tpu.memref_slice %arg8[%dma_start3A_5, %dma_start3A_6, %dma_start3A_7] : memref<2x128x128xf32, #tpu.memory_space<vmem>> -> memref<1x128x128xf32, #tpu.memory_space<vmem>>
    %dma_start3A_9 = tpu.memref_squeeze %dma_start3A_8 : memref<1x128x128xf32, #tpu.memory_space<vmem>> -> memref<128x128xf32, #tpu.memory_space<vmem>>
    %dma_start3A_10 = arith.constant 0 : i32
    %dma_start3A_11 = tpu.memref_slice %arg6[%dma_start3A, %dma_start3A_10] : memref<40x128xi32, #tpu.memory_space<vmem>> -> memref<1x128xi32, #tpu.memory_space<vmem>>
    %dma_start3A_12 = tpu.memref_squeeze %dma_start3A_11 : memref<1x128xi32, #tpu.memory_space<vmem>> -> memref<128xi32, #tpu.memory_space<vmem>>
    %dma_start3A_13 = arith.constant 0 : i32
    %dma_start3A_14 = arith.constant 0 : i32
    %dma_start3A_15 = tpu.memref_slice %arg2[%dma_start3A_13, %dma_start3A_14] : memref<140000x128xf32, #tpu.memory_space<hbm>> -> memref<140000x128xf32, #tpu.memory_space<hbm>>
    tpu.enqueue_indirect_dma source(%dma_start3A_15 : memref<140000x128xf32, #tpu.memory_space<hbm>>) target(%dma_start3A_9 : memref<128x128xf32, #tpu.memory_space<vmem>>) offsets(%dma_start3A_12 : memref<128xi32, #tpu.memory_space<vmem>>) semaphore(%arg11 : memref<!tpu.dma_semaphore, #tpu.memory_space<semaphore_mem>>)
    %broadcast_in_dim3A = arith.constant 0.000000e+00 : f32
    %broadcast_in_dim3A_16 = vector.broadcast %broadcast_in_dim3A : f32 to vector<16xf32>
    %scan3A = arith.constant 0 : i32
    %scan3A_17 = arith.constant 128 : i32
    %scan3A_18 = arith.addi %scan3A, %scan3A_17 : i32
    %scan3A_19 = arith.constant 1 : i32
    scf.for %scan3A_67 = %scan3A to %scan3A_18 step %scan3A_19  : i32 {
      %mul3A_68 = arith.constant 1 : i32
      %mul3A_69 = arith.muli %scan3A_67, %mul3A_68 : i32
      %add3A_70 = arith.constant 0 : i32
      %add3A_71 = arith.addi %add3A_70, %mul3A_69 : i32
      %swap3A = arith.constant 0 : i32
      %swap3A_72 = arith.index_cast %swap3A : i32 to index
      %swap3A_73 = arith.index_cast %add3A_71 : i32 to index
      %swap3A_74 = arith.constant 0 : index
      %swap3A_75 = tpu.vector_load %arg8[%swap3A_72, %swap3A_73, %swap3A_74] {strides = array<i32>} : memref<2x128x128xf32, #tpu.memory_space<vmem>>, vector<1x1x16xf32>,
      %swap3A_76 = vector.shape_cast %swap3A_75 : vector<1x1x16xf32> to vector<16xf32>
      %swap3A_77 = vector.shape_cast %broadcast_in_dim3A_16 : vector<16xf32> to vector<1x1x16xf32>
      tpu.vector_store %arg8[%swap3A_72, %swap3A_73, %swap3A_74], %swap3A_77 {strides = array<i32>} : memref<2x128x128xf32, #tpu.memory_space<vmem>>, vector<1x1x16xf32>,
      %swap3A_78 = arith.constant 0 : i32
      %swap3A_79 = arith.index_cast %swap3A_78 : i32 to index
      %swap3A_80 = arith.index_cast %add3A_71 : i32 to index
      %swap3A_81 = arith.constant 16 : index
      %swap3A_82 = tpu.vector_load %arg8[%swap3A_79, %swap3A_80, %swap3A_81] {strides = array<i32>} : memref<2x128x128xf32, #tpu.memory_space<vmem>>, vector<1x1x16xf32>,
      %swap3A_83 = vector.shape_cast %swap3A_82 : vector<1x1x16xf32> to vector<16xf32>
      %swap3A_84 = vector.shape_cast %broadcast_in_dim3A_16 : vector<16xf32> to vector<1x1x16xf32>
      tpu.vector_store %arg8[%swap3A_79, %swap3A_80, %swap3A_81], %swap3A_84 {strides = array<i32>} : memref<2x128x128xf32, #tpu.memory_space<vmem>>, vector<1x1x16xf32>,
      %swap3A_85 = arith.constant 0 : i32
      %swap3A_86 = arith.index_cast %swap3A_85 : i32 to index
      %swap3A_87 = arith.index_cast %add3A_71 : i32 to index
      %swap3A_88 = arith.constant 32 : index
      %swap3A_89 = tpu.vector_load %arg8[%swap3A_86, %swap3A_87, %swap3A_88] {strides = array<i32>} : memref<2x128x128xf32, #tpu.memory_space<vmem>>, vector<1x1x16xf32>,
      %swap3A_90 = vector.shape_cast %swap3A_89 : vector<1x1x16xf32> to vector<16xf32>
      %swap3A_91 = vector.shape_cast %broadcast_in_dim3A_16 : vector<16xf32> to vector<1x1x16xf32>
      tpu.vector_store %arg8[%swap3A_86, %swap3A_87, %swap3A_88], %swap3A_91 {strides = array<i32>} : memref<2x128x128xf32, #tpu.memory_space<vmem>>, vector<1x1x16xf32>,
      %swap3A_92 = arith.constant 0 : i32
      %swap3A_93 = arith.index_cast %swap3A_92 : i32 to index
      %swap3A_94 = arith.index_cast %add3A_71 : i32 to index
      %swap3A_95 = arith.constant 48 : index
      %swap3A_96 = tpu.vector_load %arg8[%swap3A_93, %swap3A_94, %swap3A_95] {strides = array<i32>} : memref<2x128x128xf32, #tpu.memory_space<vmem>>, vector<1x1x16xf32>,
      %swap3A_97 = vector.shape_cast %swap3A_96 : vector<1x1x16xf32> to vector<16xf32>
      %swap3A_98 = vector.shape_cast %broadcast_in_dim3A_16 : vector<16xf32> to vector<1x1x16xf32>
      tpu.vector_store %arg8[%swap3A_93, %swap3A_94, %swap3A_95], %swap3A_98 {strides = array<i32>} : memref<2x128x128xf32, #tpu.memory_space<vmem>>, vector<1x1x16xf32>,
      %swap3A_99 = arith.constant 0 : i32
      %swap3A_100 = arith.index_cast %swap3A_99 : i32 to index
      %swap3A_101 = arith.index_cast %add3A_71 : i32 to index
      %swap3A_102 = arith.constant 64 : index
      %swap3A_103 = tpu.vector_load %arg8[%swap3A_100, %swap3A_101, %swap3A_102] {strides = array<i32>} : memref<2x128x128xf32, #tpu.memory_space<vmem>>, vector<1x1x16xf32>,
      %swap3A_104 = vector.shape_cast %swap3A_103 : vector<1x1x16xf32> to vector<16xf32>
      %swap3A_105 = vector.shape_cast %broadcast_in_dim3A_16 : vector<16xf32> to vector<1x1x16xf32>
      tpu.vector_store %arg8[%swap3A_100, %swap3A_101, %swap3A_102], %swap3A_105 {strides = array<i32>} : memref<2x128x128xf32, #tpu.memory_space<vmem>>, vector<1x1x16xf32>,
      %swap3A_106 = arith.constant 0 : i32
      %swap3A_107 = arith.index_cast %swap3A_106 : i32 to index
      %swap3A_108 = arith.index_cast %add3A_71 : i32 to index
      %swap3A_109 = arith.constant 80 : index
      %swap3A_110 = tpu.vector_load %arg8[%swap3A_107, %swap3A_108, %swap3A_109] {strides = array<i32>} : memref<2x128x128xf32, #tpu.memory_space<vmem>>, vector<1x1x16xf32>,
      %swap3A_111 = vector.shape_cast %swap3A_110 : vector<1x1x16xf32> to vector<16xf32>
      %swap3A_112 = vector.shape_cast %broadcast_in_dim3A_16 : vector<16xf32> to vector<1x1x16xf32>
      tpu.vector_store %arg8[%swap3A_107, %swap3A_108, %swap3A_109], %swap3A_112 {strides = array<i32>} : memref<2x128x128xf32, #tpu.memory_space<vmem>>, vector<1x1x16xf32>,
      %swap3A_113 = arith.constant 0 : i32
      %swap3A_114 = arith.index_cast %swap3A_113 : i32 to index
      %swap3A_115 = arith.index_cast %add3A_71 : i32 to index
      %swap3A_116 = arith.constant 96 : index
      %swap3A_117 = tpu.vector_load %arg8[%swap3A_114, %swap3A_115, %swap3A_116] {strides = array<i32>} : memref<2x128x128xf32, #tpu.memory_space<vmem>>, vector<1x1x16xf32>,
      %swap3A_118 = vector.shape_cast %swap3A_117 : vector<1x1x16xf32> to vector<16xf32>
      %swap3A_119 = vector.shape_cast %broadcast_in_dim3A_16 : vector<16xf32> to vector<1x1x16xf32>
      tpu.vector_store %arg8[%swap3A_114, %swap3A_115, %swap3A_116], %swap3A_119 {strides = array<i32>} : memref<2x128x128xf32, #tpu.memory_space<vmem>>, vector<1x1x16xf32>,
      %swap3A_120 = arith.constant 0 : i32
      %swap3A_121 = arith.index_cast %swap3A_120 : i32 to index
      %swap3A_122 = arith.index_cast %add3A_71 : i32 to index
      %swap3A_123 = arith.constant 112 : index
      %swap3A_124 = tpu.vector_load %arg8[%swap3A_121, %swap3A_122, %swap3A_123] {strides = array<i32>} : memref<2x128x128xf32, #tpu.memory_space<vmem>>, vector<1x1x16xf32>,
      %swap3A_125 = vector.shape_cast %swap3A_124 : vector<1x1x16xf32> to vector<16xf32>
      %swap3A_126 = vector.shape_cast %broadcast_in_dim3A_16 : vector<16xf32> to vector<1x1x16xf32>
      tpu.vector_store %arg8[%swap3A_121, %swap3A_122, %swap3A_123], %swap3A_126 {strides = array<i32>} : memref<2x128x128xf32, #tpu.memory_space<vmem>>, vector<1x1x16xf32>,
    }
    %scan3A_20 = arith.constant 128 : i32
    %mul3A_21 = arith.constant 640 : i32
    %mul3A_22 = arith.muli %arg1, %mul3A_21 : i32
    %add3A_23 = arith.constant 0 : i32
    %add3A_24 = arith.addi %mul3A_22, %add3A_23 : i32
    %run_scoped3A = arith.constant 0 : i32
    "tpu.region"() ({
      %run_scoped3A_67 = tpu.sem_alloc : memref<!tpu.dma_semaphore, #tpu.memory_space<semaphore_mem>>
      %dma_start3A_68 = arith.constant 0 : i32
      %dma_start3A_69 = arith.constant 0 : i32
      %dma_start3A_70 = tpu.memref_slice %arg8[%run_scoped3A, %dma_start3A_68, %dma_start3A_69] : memref<2x128x128xf32, #tpu.memory_space<vmem>> -> memref<1x128x128xf32, #tpu.memory_space<vmem>>
      %dma_start3A_71 = tpu.memref_squeeze %dma_start3A_70 : memref<1x128x128xf32, #tpu.memory_space<vmem>> -> memref<128x128xf32, #tpu.memory_space<vmem>>
      %dma_start3A_72 = arith.constant 0 : i32
      %dma_start3A_73 = tpu.memref_slice %arg9[%add3A_24, %dma_start3A_72] : memref<10240x128xf32, #tpu.memory_space<vmem_shared>> -> memref<128x128xf32, #tpu.memory_space<vmem_shared>>
      %dma_start3A_74 = arith.constant 0 : i32
      %dma_start3A_75 = tpu.memref_slice %arg9[%add3A_24, %dma_start3A_74] : memref<10240x128xf32, #tpu.memory_space<vmem_shared>> -> memref<128x128xf32, #tpu.memory_space<vmem_shared>>
      %dma_start3A_76 = arith.constant 0 : i32
      %dma_start3A_77 = arith.constant 0 : i32
      %dma_start3A_78 = tpu.memref_slice %arg8[%run_scoped3A, %dma_start3A_76, %dma_start3A_77] : memref<2x128x128xf32, #tpu.memory_space<vmem>> -> memref<1x128x128xf32, #tpu.memory_space<vmem>>
      %dma_start3A_79 = tpu.memref_squeeze %dma_start3A_78 : memref<1x128x128xf32, #tpu.memory_space<vmem>> -> memref<128x128xf32, #tpu.memory_space<vmem>>
      tpu.enqueue_dma source(%dma_start3A_79 : memref<128x128xf32, #tpu.memory_space<vmem>>) target(%dma_start3A_75 : memref<128x128xf32, #tpu.memory_space<vmem_shared>>) target_semaphore(%run_scoped3A_67 : memref<!tpu.dma_semaphore, #tpu.memory_space<semaphore_mem>>)
      %dma_wait3A = arith.constant 0 : i32
      %dma_wait3A_80 = arith.constant 0 : i32
      %dma_wait3A_81 = tpu.memref_slice %arg8[%run_scoped3A, %dma_wait3A, %dma_wait3A_80] : memref<2x128x128xf32, #tpu.memory_space<vmem>> -> memref<1x128x128xf32, #tpu.memory_space<vmem>>
      %dma_wait3A_82 = tpu.memref_squeeze %dma_wait3A_81 : memref<1x128x128xf32, #tpu.memory_space<vmem>> -> memref<128x128xf32, #tpu.memory_space<vmem>>
      %dma_wait3A_83 = arith.constant 0 : i32
      %dma_wait3A_84 = tpu.memref_slice %arg9[%add3A_24, %dma_wait3A_83] : memref<10240x128xf32, #tpu.memory_space<vmem_shared>> -> memref<128x128xf32, #tpu.memory_space<vmem_shared>>
      %dma_wait3A_85 = arith.constant 0 : i32
      %dma_wait3A_86 = tpu.memref_slice %arg9[%add3A_24, %dma_wait3A_85] : memref<10240x128xf32, #tpu.memory_space<vmem_shared>> -> memref<128x128xf32, #tpu.memory_space<vmem_shared>>
      %dma_wait3A_87 = arith.constant 0 : i32
      %dma_wait3A_88 = arith.constant 0 : i32
      %dma_wait3A_89 = tpu.memref_slice %arg8[%run_scoped3A, %dma_wait3A_87, %dma_wait3A_88] : memref<2x128x128xf32, #tpu.memory_space<vmem>> -> memref<1x128x128xf32, #tpu.memory_space<vmem>>
      %dma_wait3A_90 = tpu.memref_squeeze %dma_wait3A_89 : memref<1x128x128xf32, #tpu.memory_space<vmem>> -> memref<128x128xf32, #tpu.memory_space<vmem>>
      tpu.wait_dma2 semaphore(%run_scoped3A_67 : memref<!tpu.dma_semaphore, #tpu.memory_space<semaphore_mem>>) src(%dma_wait3A_90 : memref<128x128xf32, #tpu.memory_space<vmem>>) dst(%dma_wait3A_86 : memref<128x128xf32, #tpu.memory_space<vmem_shared>>)
      tpu.yield
    }) : () -> ()
    %mul3A_25 = arith.constant 640 : i32
    %mul3A_26 = arith.muli %arg1, %mul3A_25 : i32
    %add3A_27 = arith.constant 128 : i32
    %add3A_28 = arith.addi %mul3A_26, %add3A_27 : i32
    %run_scoped3A_29 = arith.constant 0 : i32
    "tpu.region"() ({
      %run_scoped3A_67 = tpu.sem_alloc : memref<!tpu.dma_semaphore, #tpu.memory_space<semaphore_mem>>
      %dma_start3A_68 = arith.constant 0 : i32
      %dma_start3A_69 = arith.constant 0 : i32
      %dma_start3A_70 = tpu.memref_slice %arg8[%run_scoped3A_29, %dma_start3A_68, %dma_start3A_69] : memref<2x128x128xf32, #tpu.memory_space<vmem>> -> memref<1x128x128xf32, #tpu.memory_space<vmem>>
      %dma_start3A_71 = tpu.memref_squeeze %dma_start3A_70 : memref<1x128x128xf32, #tpu.memory_space<vmem>> -> memref<128x128xf32, #tpu.memory_space<vmem>>
      %dma_start3A_72 = arith.constant 0 : i32
      %dma_start3A_73 = tpu.memref_slice %arg9[%add3A_28, %dma_start3A_72] : memref<10240x128xf32, #tpu.memory_space<vmem_shared>> -> memref<128x128xf32, #tpu.memory_space<vmem_shared>>
      %dma_start3A_74 = arith.constant 0 : i32
      %dma_start3A_75 = tpu.memref_slice %arg9[%add3A_28, %dma_start3A_74] : memref<10240x128xf32, #tpu.memory_space<vmem_shared>> -> memref<128x128xf32, #tpu.memory_space<vmem_shared>>
      %dma_start3A_76 = arith.constant 0 : i32
      %dma_start3A_77 = arith.constant 0 : i32
      %dma_start3A_78 = tpu.memref_slice %arg8[%run_scoped3A_29, %dma_start3A_76, %dma_start3A_77] : memref<2x128x128xf32, #tpu.memory_space<vmem>> -> memref<1x128x128xf32, #tpu.memory_space<vmem>>
      %dma_start3A_79 = tpu.memref_squeeze %dma_start3A_78 : memref<1x128x128xf32, #tpu.memory_space<vmem>> -> memref<128x128xf32, #tpu.memory_space<vmem>>
      tpu.enqueue_dma source(%dma_start3A_79 : memref<128x128xf32, #tpu.memory_space<vmem>>) target(%dma_start3A_75 : memref<128x128xf32, #tpu.memory_space<vmem_shared>>) target_semaphore(%run_scoped3A_67 : memref<!tpu.dma_semaphore, #tpu.memory_space<semaphore_mem>>)
      %dma_wait3A = arith.constant 0 : i32
      %dma_wait3A_80 = arith.constant 0 : i32
      %dma_wait3A_81 = tpu.memref_slice %arg8[%run_scoped3A_29, %dma_wait3A, %dma_wait3A_80] : memref<2x128x128xf32, #tpu.memory_space<vmem>> -> memref<1x128x128xf32, #tpu.memory_space<vmem>>
      %dma_wait3A_82 = tpu.memref_squeeze %dma_wait3A_81 : memref<1x128x128xf32, #tpu.memory_space<vmem>> -> memref<128x128xf32, #tpu.memory_space<vmem>>
      %dma_wait3A_83 = arith.constant 0 : i32
      %dma_wait3A_84 = tpu.memref_slice %arg9[%add3A_28, %dma_wait3A_83] : memref<10240x128xf32, #tpu.memory_space<vmem_shared>> -> memref<128x128xf32, #tpu.memory_space<vmem_shared>>
      %dma_wait3A_85 = arith.constant 0 : i32
      %dma_wait3A_86 = tpu.memref_slice %arg9[%add3A_28, %dma_wait3A_85] : memref<10240x128xf32, #tpu.memory_space<vmem_shared>> -> memref<128x128xf32, #tpu.memory_space<vmem_shared>>
      %dma_wait3A_87 = arith.constant 0 : i32
      %dma_wait3A_88 = arith.constant 0 : i32
      %dma_wait3A_89 = tpu.memref_slice %arg8[%run_scoped3A_29, %dma_wait3A_87, %dma_wait3A_88] : memref<2x128x128xf32, #tpu.memory_space<vmem>> -> memref<1x128x128xf32, #tpu.memory_space<vmem>>
      %dma_wait3A_90 = tpu.memref_squeeze %dma_wait3A_89 : memref<1x128x128xf32, #tpu.memory_space<vmem>> -> memref<128x128xf32, #tpu.memory_space<vmem>>
      tpu.wait_dma2 semaphore(%run_scoped3A_67 : memref<!tpu.dma_semaphore, #tpu.memory_space<semaphore_mem>>) src(%dma_wait3A_90 : memref<128x128xf32, #tpu.memory_space<vmem>>) dst(%dma_wait3A_86 : memref<128x128xf32, #tpu.memory_space<vmem_shared>>)
      tpu.yield
    }) : () -> ()
    %mul3A_30 = arith.constant 640 : i32
    %mul3A_31 = arith.muli %arg1, %mul3A_30 : i32
    %add3A_32 = arith.constant 256 : i32
    %add3A_33 = arith.addi %mul3A_31, %add3A_32 : i32
    %run_scoped3A_34 = arith.constant 0 : i32
    "tpu.region"() ({
      %run_scoped3A_67 = tpu.sem_alloc : memref<!tpu.dma_semaphore, #tpu.memory_space<semaphore_mem>>
      %dma_start3A_68 = arith.constant 0 : i32
      %dma_start3A_69 = arith.constant 0 : i32
      %dma_start3A_70 = tpu.memref_slice %arg8[%run_scoped3A_34, %dma_start3A_68, %dma_start3A_69] : memref<2x128x128xf32, #tpu.memory_space<vmem>> -> memref<1x128x128xf32, #tpu.memory_space<vmem>>
      %dma_start3A_71 = tpu.memref_squeeze %dma_start3A_70 : memref<1x128x128xf32, #tpu.memory_space<vmem>> -> memref<128x128xf32, #tpu.memory_space<vmem>>
      %dma_start3A_72 = arith.constant 0 : i32
      %dma_start3A_73 = tpu.memref_slice %arg9[%add3A_33, %dma_start3A_72] : memref<10240x128xf32, #tpu.memory_space<vmem_shared>> -> memref<128x128xf32, #tpu.memory_space<vmem_shared>>
      %dma_start3A_74 = arith.constant 0 : i32
      %dma_start3A_75 = tpu.memref_slice %arg9[%add3A_33, %dma_start3A_74] : memref<10240x128xf32, #tpu.memory_space<vmem_shared>> -> memref<128x128xf32, #tpu.memory_space<vmem_shared>>
      %dma_start3A_76 = arith.constant 0 : i32
      %dma_start3A_77 = arith.constant 0 : i32
      %dma_start3A_78 = tpu.memref_slice %arg8[%run_scoped3A_34, %dma_start3A_76, %dma_start3A_77] : memref<2x128x128xf32, #tpu.memory_space<vmem>> -> memref<1x128x128xf32, #tpu.memory_space<vmem>>
      %dma_start3A_79 = tpu.memref_squeeze %dma_start3A_78 : memref<1x128x128xf32, #tpu.memory_space<vmem>> -> memref<128x128xf32, #tpu.memory_space<vmem>>
      tpu.enqueue_dma source(%dma_start3A_79 : memref<128x128xf32, #tpu.memory_space<vmem>>) target(%dma_start3A_75 : memref<128x128xf32, #tpu.memory_space<vmem_shared>>) target_semaphore(%run_scoped3A_67 : memref<!tpu.dma_semaphore, #tpu.memory_space<semaphore_mem>>)
      %dma_wait3A = arith.constant 0 : i32
      %dma_wait3A_80 = arith.constant 0 : i32
      %dma_wait3A_81 = tpu.memref_slice %arg8[%run_scoped3A_34, %dma_wait3A, %dma_wait3A_80] : memref<2x128x128xf32, #tpu.memory_space<vmem>> -> memref<1x128x128xf32, #tpu.memory_space<vmem>>
      %dma_wait3A_82 = tpu.memref_squeeze %dma_wait3A_81 : memref<1x128x128xf32, #tpu.memory_space<vmem>> -> memref<128x128xf32, #tpu.memory_space<vmem>>
      %dma_wait3A_83 = arith.constant 0 : i32
      %dma_wait3A_84 = tpu.memref_slice %arg9[%add3A_33, %dma_wait3A_83] : memref<10240x128xf32, #tpu.memory_space<vmem_shared>> -> memref<128x128xf32, #tpu.memory_space<vmem_shared>>
      %dma_wait3A_85 = arith.constant 0 : i32
      %dma_wait3A_86 = tpu.memref_slice %arg9[%add3A_33, %dma_wait3A_85] : memref<10240x128xf32, #tpu.memory_space<vmem_shared>> -> memref<128x128xf32, #tpu.memory_space<vmem_shared>>
      %dma_wait3A_87 = arith.constant 0 : i32
      %dma_wait3A_88 = arith.constant 0 : i32
      %dma_wait3A_89 = tpu.memref_slice %arg8[%run_scoped3A_34, %dma_wait3A_87, %dma_wait3A_88] : memref<2x128x128xf32, #tpu.memory_space<vmem>> -> memref<1x128x128xf32, #tpu.memory_space<vmem>>
      %dma_wait3A_90 = tpu.memref_squeeze %dma_wait3A_89 : memref<1x128x128xf32, #tpu.memory_space<vmem>> -> memref<128x128xf32, #tpu.memory_space<vmem>>
      tpu.wait_dma2 semaphore(%run_scoped3A_67 : memref<!tpu.dma_semaphore, #tpu.memory_space<semaphore_mem>>) src(%dma_wait3A_90 : memref<128x128xf32, #tpu.memory_space<vmem>>) dst(%dma_wait3A_86 : memref<128x128xf32, #tpu.memory_space<vmem_shared>>)
      tpu.yield
    }) : () -> ()
    %mul3A_35 = arith.constant 640 : i32
    %mul3A_36 = arith.muli %arg1, %mul3A_35 : i32
    %add3A_37 = arith.constant 384 : i32
    %add3A_38 = arith.addi %mul3A_36, %add3A_37 : i32
    %run_scoped3A_39 = arith.constant 0 : i32
    "tpu.region"() ({
      %run_scoped3A_67 = tpu.sem_alloc : memref<!tpu.dma_semaphore, #tpu.memory_space<semaphore_mem>>
      %dma_start3A_68 = arith.constant 0 : i32
      %dma_start3A_69 = arith.constant 0 : i32
      %dma_start3A_70 = tpu.memref_slice %arg8[%run_scoped3A_39, %dma_start3A_68, %dma_start3A_69] : memref<2x128x128xf32, #tpu.memory_space<vmem>> -> memref<1x128x128xf32, #tpu.memory_space<vmem>>
      %dma_start3A_71 = tpu.memref_squeeze %dma_start3A_70 : memref<1x128x128xf32, #tpu.memory_space<vmem>> -> memref<128x128xf32, #tpu.memory_space<vmem>>
      %dma_start3A_72 = arith.constant 0 : i32
      %dma_start3A_73 = tpu.memref_slice %arg9[%add3A_38, %dma_start3A_72] : memref<10240x128xf32, #tpu.memory_space<vmem_shared>> -> memref<128x128xf32, #tpu.memory_space<vmem_shared>>
      %dma_start3A_74 = arith.constant 0 : i32
      %dma_start3A_75 = tpu.memref_slice %arg9[%add3A_38, %dma_start3A_74] : memref<10240x128xf32, #tpu.memory_space<vmem_shared>> -> memref<128x128xf32, #tpu.memory_space<vmem_shared>>
      %dma_start3A_76 = arith.constant 0 : i32
      %dma_start3A_77 = arith.constant 0 : i32
      %dma_start3A_78 = tpu.memref_slice %arg8[%run_scoped3A_39, %dma_start3A_76, %dma_start3A_77] : memref<2x128x128xf32, #tpu.memory_space<vmem>> -> memref<1x128x128xf32, #tpu.memory_space<vmem>>
      %dma_start3A_79 = tpu.memref_squeeze %dma_start3A_78 : memref<1x128x128xf32, #tpu.memory_space<vmem>> -> memref<128x128xf32, #tpu.memory_space<vmem>>
      tpu.enqueue_dma source(%dma_start3A_79 : memref<128x128xf32, #tpu.memory_space<vmem>>) target(%dma_start3A_75 : memref<128x128xf32, #tpu.memory_space<vmem_shared>>) target_semaphore(%run_scoped3A_67 : memref<!tpu.dma_semaphore, #tpu.memory_space<semaphore_mem>>)
      %dma_wait3A = arith.constant 0 : i32
      %dma_wait3A_80 = arith.constant 0 : i32
      %dma_wait3A_81 = tpu.memref_slice %arg8[%run_scoped3A_39, %dma_wait3A, %dma_wait3A_80] : memref<2x128x128xf32, #tpu.memory_space<vmem>> -> memref<1x128x128xf32, #tpu.memory_space<vmem>>
      %dma_wait3A_82 = tpu.memref_squeeze %dma_wait3A_81 : memref<1x128x128xf32, #tpu.memory_space<vmem>> -> memref<128x128xf32, #tpu.memory_space<vmem>>
      %dma_wait3A_83 = arith.constant 0 : i32
      %dma_wait3A_84 = tpu.memref_slice %arg9[%add3A_38, %dma_wait3A_83] : memref<10240x128xf32, #tpu.memory_space<vmem_shared>> -> memref<128x128xf32, #tpu.memory_space<vmem_shared>>
      %dma_wait3A_85 = arith.constant 0 : i32
      %dma_wait3A_86 = tpu.memref_slice %arg9[%add3A_38, %dma_wait3A_85] : memref<10240x128xf32, #tpu.memory_space<vmem_shared>> -> memref<128x128xf32, #tpu.memory_space<vmem_shared>>
      %dma_wait3A_87 = arith.constant 0 : i32
      %dma_wait3A_88 = arith.constant 0 : i32
      %dma_wait3A_89 = tpu.memref_slice %arg8[%run_scoped3A_39, %dma_wait3A_87, %dma_wait3A_88] : memref<2x128x128xf32, #tpu.memory_space<vmem>> -> memref<1x128x128xf32, #tpu.memory_space<vmem>>
      %dma_wait3A_90 = tpu.memref_squeeze %dma_wait3A_89 : memref<1x128x128xf32, #tpu.memory_space<vmem>> -> memref<128x128xf32, #tpu.memory_space<vmem>>
      tpu.wait_dma2 semaphore(%run_scoped3A_67 : memref<!tpu.dma_semaphore, #tpu.memory_space<semaphore_mem>>) src(%dma_wait3A_90 : memref<128x128xf32, #tpu.memory_space<vmem>>) dst(%dma_wait3A_86 : memref<128x128xf32, #tpu.memory_space<vmem_shared>>)
      tpu.yield
    }) : () -> ()
    %mul3A_40 = arith.constant 640 : i32
    %mul3A_41 = arith.muli %arg1, %mul3A_40 : i32
    %add3A_42 = arith.constant 512 : i32
    %add3A_43 = arith.addi %mul3A_41, %add3A_42 : i32
    %run_scoped3A_44 = arith.constant 0 : i32
    "tpu.region"() ({
      %run_scoped3A_67 = tpu.sem_alloc : memref<!tpu.dma_semaphore, #tpu.memory_space<semaphore_mem>>
      %dma_start3A_68 = arith.constant 0 : i32
      %dma_start3A_69 = arith.constant 0 : i32
      %dma_start3A_70 = tpu.memref_slice %arg8[%run_scoped3A_44, %dma_start3A_68, %dma_start3A_69] : memref<2x128x128xf32, #tpu.memory_space<vmem>> -> memref<1x128x128xf32, #tpu.memory_space<vmem>>
      %dma_start3A_71 = tpu.memref_squeeze %dma_start3A_70 : memref<1x128x128xf32, #tpu.memory_space<vmem>> -> memref<128x128xf32, #tpu.memory_space<vmem>>
      %dma_start3A_72 = arith.constant 0 : i32
      %dma_start3A_73 = tpu.memref_slice %arg9[%add3A_43, %dma_start3A_72] : memref<10240x128xf32, #tpu.memory_space<vmem_shared>> -> memref<128x128xf32, #tpu.memory_space<vmem_shared>>
      %dma_start3A_74 = arith.constant 0 : i32
      %dma_start3A_75 = tpu.memref_slice %arg9[%add3A_43, %dma_start3A_74] : memref<10240x128xf32, #tpu.memory_space<vmem_shared>> -> memref<128x128xf32, #tpu.memory_space<vmem_shared>>
      %dma_start3A_76 = arith.constant 0 : i32
      %dma_start3A_77 = arith.constant 0 : i32
      %dma_start3A_78 = tpu.memref_slice %arg8[%run_scoped3A_44, %dma_start3A_76, %dma_start3A_77] : memref<2x128x128xf32, #tpu.memory_space<vmem>> -> memref<1x128x128xf32, #tpu.memory_space<vmem>>
      %dma_start3A_79 = tpu.memref_squeeze %dma_start3A_78 : memref<1x128x128xf32, #tpu.memory_space<vmem>> -> memref<128x128xf32, #tpu.memory_space<vmem>>
      tpu.enqueue_dma source(%dma_start3A_79 : memref<128x128xf32, #tpu.memory_space<vmem>>) target(%dma_start3A_75 : memref<128x128xf32, #tpu.memory_space<vmem_shared>>) target_semaphore(%run_scoped3A_67 : memref<!tpu.dma_semaphore, #tpu.memory_space<semaphore_mem>>)
      %dma_wait3A = arith.constant 0 : i32
      %dma_wait3A_80 = arith.constant 0 : i32
      %dma_wait3A_81 = tpu.memref_slice %arg8[%run_scoped3A_44, %dma_wait3A, %dma_wait3A_80] : memref<2x128x128xf32, #tpu.memory_space<vmem>> -> memref<1x128x128xf32, #tpu.memory_space<vmem>>
      %dma_wait3A_82 = tpu.memref_squeeze %dma_wait3A_81 : memref<1x128x128xf32, #tpu.memory_space<vmem>> -> memref<128x128xf32, #tpu.memory_space<vmem>>
      %dma_wait3A_83 = arith.constant 0 : i32
      %dma_wait3A_84 = tpu.memref_slice %arg9[%add3A_43, %dma_wait3A_83] : memref<10240x128xf32, #tpu.memory_space<vmem_shared>> -> memref<128x128xf32, #tpu.memory_space<vmem_shared>>
      %dma_wait3A_85 = arith.constant 0 : i32
      %dma_wait3A_86 = tpu.memref_slice %arg9[%add3A_43, %dma_wait3A_85] : memref<10240x128xf32, #tpu.memory_space<vmem_shared>> -> memref<128x128xf32, #tpu.memory_space<vmem_shared>>
      %dma_wait3A_87 = arith.constant 0 : i32
      %dma_wait3A_88 = arith.constant 0 : i32
      %dma_wait3A_89 = tpu.memref_slice %arg8[%run_scoped3A_44, %dma_wait3A_87, %dma_wait3A_88] : memref<2x128x128xf32, #tpu.memory_space<vmem>> -> memref<1x128x128xf32, #tpu.memory_space<vmem>>
      %dma_wait3A_90 = tpu.memref_squeeze %dma_wait3A_89 : memref<1x128x128xf32, #tpu.memory_space<vmem>> -> memref<128x128xf32, #tpu.memory_space<vmem>>
      tpu.wait_dma2 semaphore(%run_scoped3A_67 : memref<!tpu.dma_semaphore, #tpu.memory_space<semaphore_mem>>) src(%dma_wait3A_90 : memref<128x128xf32, #tpu.memory_space<vmem>>) dst(%dma_wait3A_86 : memref<128x128xf32, #tpu.memory_space<vmem_shared>>)
      tpu.yield
    }) : () -> ()
    %dma_start3A_45 = arith.constant 0 : i32
    %dma_start3A_46 = arith.constant 0 : i32
    %dma_start3A_47 = arith.constant 0 : i32
    %dma_start3A_48 = arith.constant 0 : i32
    %dma_start3A_49 = tpu.memref_slice %arg8[%dma_start3A_46, %dma_start3A_47, %dma_start3A_48] : memref<2x128x128xf32, #tpu.memory_space<vmem>> -> memref<1x128x128xf32, #tpu.memory_space<vmem>>
    %dma_start3A_50 = tpu.memref_squeeze %dma_start3A_49 : memref<1x128x128xf32, #tpu.memory_space<vmem>> -> memref<128x128xf32, #tpu.memory_space<vmem>>
    %dma_start3A_51 = arith.constant 0 : i32
    %dma_start3A_52 = tpu.memref_slice %arg6[%dma_start3A_45, %dma_start3A_51] : memref<40x128xi32, #tpu.memory_space<vmem>> -> memref<1x128xi32, #tpu.memory_space<vmem>>
    %dma_start3A_53 = tpu.memref_squeeze %dma_start3A_52 : memref<1x128xi32, #tpu.memory_space<vmem>> -> memref<128xi32, #tpu.memory_space<vmem>>
    %dma_start3A_54 = arith.constant 0 : i32
    %dma_start3A_55 = arith.constant 0 : i32
    %dma_start3A_56 = tpu.memref_slice %arg2[%dma_start3A_54, %dma_start3A_55] : memref<140000x128xf32, #tpu.memory_space<hbm>> -> memref<140000x128xf32, #tpu.memory_space<hbm>>
    tpu.enqueue_indirect_dma source(%dma_start3A_56 : memref<140000x128xf32, #tpu.memory_space<hbm>>) target(%dma_start3A_50 : memref<128x128xf32, #tpu.memory_space<vmem>>) offsets(%dma_start3A_53 : memref<128xi32, #tpu.memory_space<vmem>>) semaphore(%arg10 : memref<!tpu.dma_semaphore, #tpu.memory_space<semaphore_mem>>)
    %barrier3A = arith.constant 0 : index
    tpu.barrier barrier_id(%barrier3A)
    %scan3A_57 = arith.constant 0 : i32
    %scan3A_58 = arith.constant 20 : i32
    %scan3A_59 = arith.addi %scan3A_57, %scan3A_58 : i32
    %scan3A_60 = arith.constant 1 : i32
    scf.for %scan3A_67 = %scan3A_57 to %scan3A_59 step %scan3A_60  : i32 {
      %mul3A_68 = arith.constant 1 : i32
      %mul3A_69 = arith.muli %scan3A_67, %mul3A_68 : i32
      %add3A_70 = arith.constant 0 : i32
      %add3A_71 = arith.addi %add3A_70, %mul3A_69 : i32
      %mul3A_72 = arith.constant 2 : i32
      %mul3A_73 = arith.muli %add3A_71, %mul3A_72 : i32
      %add3A_74 = arith.constant 1 : i32
      %add3A_75 = arith.addi %mul3A_73, %add3A_74 : i32
      %dma_wait3A = arith.constant 0 : i32
      %dma_wait3A_76 = arith.constant 0 : i32
      %dma_wait3A_77 = arith.constant 0 : i32
      %dma_wait3A_78 = tpu.memref_slice %arg8[%dma_wait3A, %dma_wait3A_76, %dma_wait3A_77] : memref<2x128x128xf32, #tpu.memory_space<vmem>> -> memref<1x128x128xf32, #tpu.memory_space<vmem>>
      %dma_wait3A_79 = tpu.memref_squeeze %dma_wait3A_78 : memref<1x128x128xf32, #tpu.memory_space<vmem>> -> memref<128x128xf32, #tpu.memory_space<vmem>>
      %dma_wait3A_80 = arith.constant 0 : i32
      %dma_wait3A_81 = tpu.memref_slice %arg6[%mul3A_73, %dma_wait3A_80] : memref<40x128xi32, #tpu.memory_space<vmem>> -> memref<1x128xi32, #tpu.memory_space<vmem>>
      %dma_wait3A_82 = tpu.memref_squeeze %dma_wait3A_81 : memref<1x128xi32, #tpu.memory_space<vmem>> -> memref<128xi32, #tpu.memory_space<vmem>>
      %dma_wait3A_83 = arith.constant 0 : i32
      %dma_wait3A_84 = arith.constant 0 : i32
      %dma_wait3A_85 = tpu.memref_slice %arg2[%dma_wait3A_83, %dma_wait3A_84] : memref<140000x128xf32, #tpu.memory_space<hbm>> -> memref<140000x128xf32, #tpu.memory_space<hbm>>
      tpu.wait_indirect_dma semaphore(%arg10 : memref<!tpu.dma_semaphore, #tpu.memory_space<semaphore_mem>>) src(%dma_wait3A_85 : memref<140000x128xf32, #tpu.memory_space<hbm>>) dst(%dma_wait3A_79 : memref<128x128xf32, #tpu.memory_space<vmem>>)
      %run_scoped3A_86 = arith.constant 0 : i32
      "tpu.region"() ({
        %run_scoped3A_106 = tpu.sem_alloc : memref<!tpu.dma_semaphore, #tpu.memory_space<semaphore_mem>>
        %dma_start3A_107 = arith.constant 0 : i32
        %dma_start3A_108 = arith.constant 0 : i32
        %dma_start3A_109 = tpu.memref_slice %arg8[%run_scoped3A_86, %dma_start3A_107, %dma_start3A_108] : memref<2x128x128xf32, #tpu.memory_space<vmem>> -> memref<1x128x128xf32, #tpu.memory_space<vmem>>
        %dma_start3A_110 = tpu.memref_squeeze %dma_start3A_109 : memref<1x128x128xf32, #tpu.memory_space<vmem>> -> memref<128x128xf32, #tpu.memory_space<vmem>>
        %dma_start3A_111 = arith.constant 0 : i32
        %dma_start3A_112 = tpu.memref_slice %arg7[%mul3A_73, %dma_start3A_111] : memref<40x128xi32, #tpu.memory_space<vmem>> -> memref<1x128xi32, #tpu.memory_space<vmem>>
        %dma_start3A_113 = tpu.memref_squeeze %dma_start3A_112 : memref<1x128xi32, #tpu.memory_space<vmem>> -> memref<128xi32, #tpu.memory_space<vmem>>
        %dma_start3A_114 = arith.constant 0 : i32
        %dma_start3A_115 = arith.constant 0 : i32
        %dma_start3A_116 = tpu.memref_slice %arg9[%dma_start3A_114, %dma_start3A_115] : memref<10240x128xf32, #tpu.memory_space<vmem_shared>> -> memref<10240x128xf32, #tpu.memory_space<vmem_shared>>
        tpu.enqueue_indirect_dma source(%dma_start3A_110 : memref<128x128xf32, #tpu.memory_space<vmem>>) target(%dma_start3A_116 : memref<10240x128xf32, #tpu.memory_space<vmem_shared>>) offsets(%dma_start3A_113 : memref<128xi32, #tpu.memory_space<vmem>>) semaphore(%run_scoped3A_106 : memref<!tpu.dma_semaphore, #tpu.memory_space<semaphore_mem>>) {add = true}
        %dma_wait3A_117 = arith.constant 0 : i32
        %dma_wait3A_118 = arith.constant 0 : i32
        %dma_wait3A_119 = tpu.memref_slice %arg8[%run_scoped3A_86, %dma_wait3A_117, %dma_wait3A_118] : memref<2x128x128xf32, #tpu.memory_space<vmem>> -> memref<1x128x128xf32, #tpu.memory_space<vmem>>
        %dma_wait3A_120 = tpu.memref_squeeze %dma_wait3A_119 : memref<1x128x128xf32, #tpu.memory_space<vmem>> -> memref<128x128xf32, #tpu.memory_space<vmem>>
        %dma_wait3A_121 = arith.constant 0 : i32
        %dma_wait3A_122 = tpu.memref_slice %arg7[%mul3A_73, %dma_wait3A_121] : memref<40x128xi32, #tpu.memory_space<vmem>> -> memref<1x128xi32, #tpu.memory_space<vmem>>
        %dma_wait3A_123 = tpu.memref_squeeze %dma_wait3A_122 : memref<1x128xi32, #tpu.memory_space<vmem>> -> memref<128xi32, #tpu.memory_space<vmem>>
        %dma_wait3A_124 = arith.constant 0 : i32
        %dma_wait3A_125 = arith.constant 0 : i32
        %dma_wait3A_126 = tpu.memref_slice %arg9[%dma_wait3A_124, %dma_wait3A_125] : memref<10240x128xf32, #tpu.memory_space<vmem_shared>> -> memref<10240x128xf32, #tpu.memory_space<vmem_shared>>
        tpu.wait_indirect_dma semaphore(%run_scoped3A_106 : memref<!tpu.dma_semaphore, #tpu.memory_space<semaphore_mem>>) src(%dma_wait3A_120 : memref<128x128xf32, #tpu.memory_space<vmem>>) dst(%dma_wait3A_126 : memref<10240x128xf32, #tpu.memory_space<vmem_shared>>)
        tpu.yield
      }) : () -> ()
      %lt3A = arith.constant 19 : i32
      %lt3A_87 = arith.cmpi slt, %add3A_71, %lt3A : i32
      %convert_element_type3A = arith.extui %lt3A_87 : i1 to i32
      %cond3A = arith.constant 0 : i32
      %cond3A_88 = arith.cmpi ne, %convert_element_type3A, %cond3A : i32
      scf.if %cond3A_88 {
        %add3A_106 = arith.constant 2 : i32
        %add3A_107 = arith.addi %mul3A_73, %add3A_106 : i32
        %dma_start3A_108 = arith.constant 0 : i32
        %dma_start3A_109 = arith.constant 0 : i32
        %dma_start3A_110 = arith.constant 0 : i32
        %dma_start3A_111 = tpu.memref_slice %arg8[%dma_start3A_108, %dma_start3A_109, %dma_start3A_110] : memref<2x128x128xf32, #tpu.memory_space<vmem>> -> memref<1x128x128xf32, #tpu.memory_space<vmem>>
        %dma_start3A_112 = tpu.memref_squeeze %dma_start3A_111 : memref<1x128x128xf32, #tpu.memory_space<vmem>> -> memref<128x128xf32, #tpu.memory_space<vmem>>
        %dma_start3A_113 = arith.constant 0 : i32
        %dma_start3A_114 = tpu.memref_slice %arg6[%add3A_107, %dma_start3A_113] : memref<40x128xi32, #tpu.memory_space<vmem>> -> memref<1x128xi32, #tpu.memory_space<vmem>>
        %dma_start3A_115 = tpu.memref_squeeze %dma_start3A_114 : memref<1x128xi32, #tpu.memory_space<vmem>> -> memref<128xi32, #tpu.memory_space<vmem>>
        %dma_start3A_116 = arith.constant 0 : i32
        %dma_start3A_117 = arith.constant 0 : i32
        %dma_start3A_118 = tpu.memref_slice %arg2[%dma_start3A_116, %dma_start3A_117] : memref<140000x128xf32, #tpu.memory_space<hbm>> -> memref<140000x128xf32, #tpu.memory_space<hbm>>
        tpu.enqueue_indirect_dma source(%dma_start3A_118 : memref<140000x128xf32, #tpu.memory_space<hbm>>) target(%dma_start3A_112 : memref<128x128xf32, #tpu.memory_space<vmem>>) offsets(%dma_start3A_115 : memref<128xi32, #tpu.memory_space<vmem>>) semaphore(%arg10 : memref<!tpu.dma_semaphore, #tpu.memory_space<semaphore_mem>>)
      } else {
      }
      %dma_wait3A_89 = arith.constant 1 : i32
      %dma_wait3A_90 = arith.constant 0 : i32
      %dma_wait3A_91 = arith.constant 0 : i32
      %dma_wait3A_92 = tpu.memref_slice %arg8[%dma_wait3A_89, %dma_wait3A_90, %dma_wait3A_91] : memref<2x128x128xf32, #tpu.memory_space<vmem>> -> memref<1x128x128xf32, #tpu.memory_space<vmem>>
      %dma_wait3A_93 = tpu.memref_squeeze %dma_wait3A_92 : memref<1x128x128xf32, #tpu.memory_space<vmem>> -> memref<128x128xf32, #tpu.memory_space<vmem>>
      %dma_wait3A_94 = arith.constant 0 : i32
      %dma_wait3A_95 = tpu.memref_slice %arg6[%add3A_75, %dma_wait3A_94] : memref<40x128xi32, #tpu.memory_space<vmem>> -> memref<1x128xi32, #tpu.memory_space<vmem>>
      %dma_wait3A_96 = tpu.memref_squeeze %dma_wait3A_95 : memref<1x128xi32, #tpu.memory_space<vmem>> -> memref<128xi32, #tpu.memory_space<vmem>>
      %dma_wait3A_97 = arith.constant 0 : i32
      %dma_wait3A_98 = arith.constant 0 : i32
      %dma_wait3A_99 = tpu.memref_slice %arg2[%dma_wait3A_97, %dma_wait3A_98] : memref<140000x128xf32, #tpu.memory_space<hbm>> -> memref<140000x128xf32, #tpu.memory_space<hbm>>
      tpu.wait_indirect_dma semaphore(%arg11 : memref<!tpu.dma_semaphore, #tpu.memory_space<semaphore_mem>>) src(%dma_wait3A_99 : memref<140000x128xf32, #tpu.memory_space<hbm>>) dst(%dma_wait3A_93 : memref<128x128xf32, #tpu.memory_space<vmem>>)
      %run_scoped3A_100 = arith.constant 1 : i32
      "tpu.region"() ({
        %run_scoped3A_106 = tpu.sem_alloc : memref<!tpu.dma_semaphore, #tpu.memory_space<semaphore_mem>>
        %dma_start3A_107 = arith.constant 0 : i32
        %dma_start3A_108 = arith.constant 0 : i32
        %dma_start3A_109 = tpu.memref_slice %arg8[%run_scoped3A_100, %dma_start3A_107, %dma_start3A_108] : memref<2x128x128xf32, #tpu.memory_space<vmem>> -> memref<1x128x128xf32, #tpu.memory_space<vmem>>
        %dma_start3A_110 = tpu.memref_squeeze %dma_start3A_109 : memref<1x128x128xf32, #tpu.memory_space<vmem>> -> memref<128x128xf32, #tpu.memory_space<vmem>>
        %dma_start3A_111 = arith.constant 0 : i32
        %dma_start3A_112 = tpu.memref_slice %arg7[%add3A_75, %dma_start3A_111] : memref<40x128xi32, #tpu.memory_space<vmem>> -> memref<1x128xi32, #tpu.memory_space<vmem>>
        %dma_start3A_113 = tpu.memref_squeeze %dma_start3A_112 : memref<1x128xi32, #tpu.memory_space<vmem>> -> memref<128xi32, #tpu.memory_space<vmem>>
        %dma_start3A_114 = arith.constant 0 : i32
        %dma_start3A_115 = arith.constant 0 : i32
        %dma_start3A_116 = tpu.memref_slice %arg9[%dma_start3A_114, %dma_start3A_115] : memref<10240x128xf32, #tpu.memory_space<vmem_shared>> -> memref<10240x128xf32, #tpu.memory_space<vmem_shared>>
        tpu.enqueue_indirect_dma source(%dma_start3A_110 : memref<128x128xf32, #tpu.memory_space<vmem>>) target(%dma_start3A_116 : memref<10240x128xf32, #tpu.memory_space<vmem_shared>>) offsets(%dma_start3A_113 : memref<128xi32, #tpu.memory_space<vmem>>) semaphore(%run_scoped3A_106 : memref<!tpu.dma_semaphore, #tpu.memory_space<semaphore_mem>>) {add = true}
        %dma_wait3A_117 = arith.constant 0 : i32
        %dma_wait3A_118 = arith.constant 0 : i32
        %dma_wait3A_119 = tpu.memref_slice %arg8[%run_scoped3A_100, %dma_wait3A_117, %dma_wait3A_118] : memref<2x128x128xf32, #tpu.memory_space<vmem>> -> memref<1x128x128xf32, #tpu.memory_space<vmem>>
        %dma_wait3A_120 = tpu.memref_squeeze %dma_wait3A_119 : memref<1x128x128xf32, #tpu.memory_space<vmem>> -> memref<128x128xf32, #tpu.memory_space<vmem>>
        %dma_wait3A_121 = arith.constant 0 : i32
        %dma_wait3A_122 = tpu.memref_slice %arg7[%add3A_75, %dma_wait3A_121] : memref<40x128xi32, #tpu.memory_space<vmem>> -> memref<1x128xi32, #tpu.memory_space<vmem>>
        %dma_wait3A_123 = tpu.memref_squeeze %dma_wait3A_122 : memref<1x128xi32, #tpu.memory_space<vmem>> -> memref<128xi32, #tpu.memory_space<vmem>>
        %dma_wait3A_124 = arith.constant 0 : i32
        %dma_wait3A_125 = arith.constant 0 : i32
        %dma_wait3A_126 = tpu.memref_slice %arg9[%dma_wait3A_124, %dma_wait3A_125] : memref<10240x128xf32, #tpu.memory_space<vmem_shared>> -> memref<10240x128xf32, #tpu.memory_space<vmem_shared>>
        tpu.wait_indirect_dma semaphore(%run_scoped3A_106 : memref<!tpu.dma_semaphore, #tpu.memory_space<semaphore_mem>>) src(%dma_wait3A_120 : memref<128x128xf32, #tpu.memory_space<vmem>>) dst(%dma_wait3A_126 : memref<10240x128xf32, #tpu.memory_space<vmem_shared>>)
        tpu.yield
      }) : () -> ()
      %lt3A_101 = arith.constant 19 : i32
      %lt3A_102 = arith.cmpi slt, %add3A_71, %lt3A_101 : i32
      %convert_element_type3A_103 = arith.extui %lt3A_102 : i1 to i32
      %cond3A_104 = arith.constant 0 : i32
      %cond3A_105 = arith.cmpi ne, %convert_element_type3A_103, %cond3A_104 : i32
      scf.if %cond3A_105 {
        %add3A_106 = arith.constant 2 : i32
        %add3A_107 = arith.addi %add3A_75, %add3A_106 : i32
        %dma_start3A_108 = arith.constant 1 : i32
        %dma_start3A_109 = arith.constant 0 : i32
        %dma_start3A_110 = arith.constant 0 : i32
        %dma_start3A_111 = tpu.memref_slice %arg8[%dma_start3A_108, %dma_start3A_109, %dma_start3A_110] : memref<2x128x128xf32, #tpu.memory_space<vmem>> -> memref<1x128x128xf32, #tpu.memory_space<vmem>>
        %dma_start3A_112 = tpu.memref_squeeze %dma_start3A_111 : memref<1x128x128xf32, #tpu.memory_space<vmem>> -> memref<128x128xf32, #tpu.memory_space<vmem>>
        %dma_start3A_113 = arith.constant 0 : i32
        %dma_start3A_114 = tpu.memref_slice %arg6[%add3A_107, %dma_start3A_113] : memref<40x128xi32, #tpu.memory_space<vmem>> -> memref<1x128xi32, #tpu.memory_space<vmem>>
        %dma_start3A_115 = tpu.memref_squeeze %dma_start3A_114 : memref<1x128xi32, #tpu.memory_space<vmem>> -> memref<128xi32, #tpu.memory_space<vmem>>
        %dma_start3A_116 = arith.constant 0 : i32
        %dma_start3A_117 = arith.constant 0 : i32
        %dma_start3A_118 = tpu.memref_slice %arg2[%dma_start3A_116, %dma_start3A_117] : memref<140000x128xf32, #tpu.memory_space<hbm>> -> memref<140000x128xf32, #tpu.memory_space<hbm>>
        tpu.enqueue_indirect_dma source(%dma_start3A_118 : memref<140000x128xf32, #tpu.memory_space<hbm>>) target(%dma_start3A_112 : memref<128x128xf32, #tpu.memory_space<vmem>>) offsets(%dma_start3A_115 : memref<128xi32, #tpu.memory_space<vmem>>) semaphore(%arg11 : memref<!tpu.dma_semaphore, #tpu.memory_space<semaphore_mem>>)
      } else {
      }
    }
    %scan3A_61 = arith.constant 20 : i32
    %barrier3A_62 = arith.constant 0 : index
    tpu.barrier barrier_id(%barrier3A_62)
    %mul3A_63 = arith.constant 640 : i32
    %mul3A_64 = arith.muli %arg1, %mul3A_63 : i32
    %mul3A_65 = arith.constant 640 : i32
    %mul3A_66 = arith.muli %arg1, %mul3A_65 : i32
    "tpu.region"() ({
      %run_scoped3A_67 = tpu.sem_alloc : memref<!tpu.dma_semaphore, #tpu.memory_space<semaphore_mem>>
      %dma_start3A_68 = arith.constant 0 : i32
      %dma_start3A_69 = tpu.memref_slice %arg5[%arg0, %mul3A_66, %dma_start3A_68] : memref<2x10240x128xf32, #tpu.memory_space<hbm>> -> memref<1x640x128xf32, #tpu.memory_space<hbm>>
      %dma_start3A_70 = tpu.memref_squeeze %dma_start3A_69 : memref<1x640x128xf32, #tpu.memory_space<hbm>> -> memref<640x128xf32, #tpu.memory_space<hbm>>
      %dma_start3A_71 = arith.constant 0 : i32
      %dma_start3A_72 = tpu.memref_slice %arg9[%mul3A_64, %dma_start3A_71] : memref<10240x128xf32, #tpu.memory_space<vmem_shared>> -> memref<640x128xf32, #tpu.memory_space<vmem_shared>>
      tpu.enqueue_dma source(%dma_start3A_72 : memref<640x128xf32, #tpu.memory_space<vmem_shared>>) target(%dma_start3A_70 : memref<640x128xf32, #tpu.memory_space<hbm>>) target_semaphore(%run_scoped3A_67 : memref<!tpu.dma_semaphore, #tpu.memory_space<semaphore_mem>>)
      %dma_wait3A = arith.constant 0 : i32
      %dma_wait3A_73 = tpu.memref_slice %arg5[%arg0, %mul3A_66, %dma_wait3A] : memref<2x10240x128xf32, #tpu.memory_space<hbm>> -> memref<1x640x128xf32, #tpu.memory_space<hbm>>
      %dma_wait3A_74 = tpu.memref_squeeze %dma_wait3A_73 : memref<1x640x128xf32, #tpu.memory_space<hbm>> -> memref<640x128xf32, #tpu.memory_space<hbm>>
      %dma_wait3A_75 = arith.constant 0 : i32
      %dma_wait3A_76 = tpu.memref_slice %arg9[%mul3A_64, %dma_wait3A_75] : memref<10240x128xf32, #tpu.memory_space<vmem_shared>> -> memref<640x128xf32, #tpu.memory_space<vmem_shared>>
      tpu.wait_dma2 semaphore(%run_scoped3A_67 : memref<!tpu.dma_semaphore, #tpu.memory_space<semaphore_mem>>) src(%dma_wait3A_76 : memref<640x128xf32, #tpu.memory_space<vmem_shared>>) dst(%dma_wait3A_74 : memref<640x128xf32, #tpu.memory_space<hbm>>)
      tpu.yield
    }) : () -> ()
    return
  }
}

#map = affine_map<(d0, d1) -> (0, 0)>
#map1 = affine_map<(d0, d1) -> (0, 0, 0)>
module attributes {stable_mosaic.version = 14 : i64} {
  func.func @sc_scatter(%arg0: i32, %arg1: i32, %arg2: memref<140000x128xf32, #tpu.memory_space<hbm>>, %arg3: memref<1280x128xi32, #tpu.memory_space<hbm>>, %arg4: memref<1280x128xi32, #tpu.memory_space<hbm>>, %arg5: memref<2x10240x128xf32, #tpu.memory_space<hbm>>, %arg6: memref<40x128xi32, #tpu.memory_space<vmem>>, %arg7: memref<40x128xi32, #tpu.memory_space<vmem>>, %arg8: memref<2x128x128xf32, #tpu.memory_space<vmem>>, %arg9: memref<10240x128xf32, #tpu.memory_space<vmem_shared>>, %arg10: memref<!tpu.dma_semaphore, #tpu.memory_space<semaphore_mem>>, %arg11: memref<!tpu.dma_semaphore, #tpu.memory_space<semaphore_mem>>) attributes {dimension_semantics = [#tpu.dimension_semantics<core_parallel>, #tpu.dimension_semantics<subcore_parallel>], iteration_bounds = array<i64: 2, 16>, scalar_prefetch = 0 : i64, scratch_operands = 6 : i64, tpu.core_type = #tpu.core_type<sc_vector_subcore>, window_params = [{transform_indices = #map}, {transform_indices = #map}, {transform_indices = #map}, {transform_indices = #map1}]} {
    %mul3A = arith.constant 16 : i32
    %mul3A_0 = arith.muli %arg0, %mul3A : i32
    %add3A = arith.addi %mul3A_0, %arg1 : i32
    %mul3A_1 = arith.constant 40 : i32
    %mul3A_2 = arith.muli %add3A, %mul3A_1 : i32
    "tpu.region"() ({
      %run_scoped3A_67 = tpu.sem_alloc : memref<!tpu.dma_semaphore, #tpu.memory_space<semaphore_mem>>
      %dma_start3A_68 = arith.constant 0 : i32
      %dma_start3A_69 = tpu.memref_slice %arg3[%mul3A_2, %dma_start3A_68] : memref<1280x128xi32, #tpu.memory_space<hbm>> -> memref<40x128xi32, #tpu.memory_space<hbm>>
      %dma_start3A_70 = arith.constant 0 : i32
      %dma_start3A_71 = tpu.memref_slice %arg3[%mul3A_2, %dma_start3A_70] : memref<1280x128xi32, #tpu.memory_space<hbm>> -> memref<40x128xi32, #tpu.memory_space<hbm>>
      tpu.enqueue_dma source(%dma_start3A_71 : memref<40x128xi32, #tpu.memory_space<hbm>>) target(%arg6 : memref<40x128xi32, #tpu.memory_space<vmem>>) target_semaphore(%run_scoped3A_67 : memref<!tpu.dma_semaphore, #tpu.memory_space<semaphore_mem>>)
      %dma_wait3A = arith.constant 0 : i32
      %dma_wait3A_72 = tpu.memref_slice %arg3[%mul3A_2, %dma_wait3A] : memref<1280x128xi32, #tpu.memory_space<hbm>> -> memref<40x128xi32, #tpu.memory_space<hbm>>
      %dma_wait3A_73 = arith.constant 0 : i32
      %dma_wait3A_74 = tpu.memref_slice %arg3[%mul3A_2, %dma_wait3A_73] : memref<1280x128xi32, #tpu.memory_space<hbm>> -> memref<40x128xi32, #tpu.memory_space<hbm>>
      tpu.wait_dma2 semaphore(%run_scoped3A_67 : memref<!tpu.dma_semaphore, #tpu.memory_space<semaphore_mem>>) src(%dma_wait3A_74 : memref<40x128xi32, #tpu.memory_space<hbm>>) dst(%arg6 : memref<40x128xi32, #tpu.memory_space<vmem>>)
      tpu.yield
    }) : () -> ()
    %mul3A_3 = arith.constant 40 : i32
    %mul3A_4 = arith.muli %add3A, %mul3A_3 : i32
    "tpu.region"() ({
      %run_scoped3A_67 = tpu.sem_alloc : memref<!tpu.dma_semaphore, #tpu.memory_space<semaphore_mem>>
      %dma_start3A_68 = arith.constant 0 : i32
      %dma_start3A_69 = tpu.memref_slice %arg4[%mul3A_4, %dma_start3A_68] : memref<1280x128xi32, #tpu.memory_space<hbm>> -> memref<40x128xi32, #tpu.memory_space<hbm>>
      %dma_start3A_70 = arith.constant 0 : i32
      %dma_start3A_71 = tpu.memref_slice %arg4[%mul3A_4, %dma_start3A_70] : memref<1280x128xi32, #tpu.memory_space<hbm>> -> memref<40x128xi32, #tpu.memory_space<hbm>>
      tpu.enqueue_dma source(%dma_start3A_71 : memref<40x128xi32, #tpu.memory_space<hbm>>) target(%arg7 : memref<40x128xi32, #tpu.memory_space<vmem>>) target_semaphore(%run_scoped3A_67 : memref<!tpu.dma_semaphore, #tpu.memory_space<semaphore_mem>>)
      %dma_wait3A = arith.constant 0 : i32
      %dma_wait3A_72 = tpu.memref_slice %arg4[%mul3A_4, %dma_wait3A] : memref<1280x128xi32, #tpu.memory_space<hbm>> -> memref<40x128xi32, #tpu.memory_space<hbm>>
      %dma_wait3A_73 = arith.constant 0 : i32
      %dma_wait3A_74 = tpu.memref_slice %arg4[%mul3A_4, %dma_wait3A_73] : memref<1280x128xi32, #tpu.memory_space<hbm>> -> memref<40x128xi32, #tpu.memory_space<hbm>>
      tpu.wait_dma2 semaphore(%run_scoped3A_67 : memref<!tpu.dma_semaphore, #tpu.memory_space<semaphore_mem>>) src(%dma_wait3A_74 : memref<40x128xi32, #tpu.memory_space<hbm>>) dst(%arg7 : memref<40x128xi32, #tpu.memory_space<vmem>>)
      tpu.yield
    }) : () -> ()
    %dma_start3A = arith.constant 1 : i32
    %dma_start3A_5 = arith.constant 1 : i32
    %dma_start3A_6 = arith.constant 0 : i32
    %dma_start3A_7 = arith.constant 0 : i32
    %dma_start3A_8 = tpu.memref_slice %arg8[%dma_start3A_5, %dma_start3A_6, %dma_start3A_7] : memref<2x128x128xf32, #tpu.memory_space<vmem>> -> memref<1x128x128xf32, #tpu.memory_space<vmem>>
    %dma_start3A_9 = tpu.memref_squeeze %dma_start3A_8 : memref<1x128x128xf32, #tpu.memory_space<vmem>> -> memref<128x128xf32, #tpu.memory_space<vmem>>
    %dma_start3A_10 = arith.constant 0 : i32
    %dma_start3A_11 = tpu.memref_slice %arg6[%dma_start3A, %dma_start3A_10] : memref<40x128xi32, #tpu.memory_space<vmem>> -> memref<1x128xi32, #tpu.memory_space<vmem>>
    %dma_start3A_12 = tpu.memref_squeeze %dma_start3A_11 : memref<1x128xi32, #tpu.memory_space<vmem>> -> memref<128xi32, #tpu.memory_space<vmem>>
    %dma_start3A_13 = arith.constant 0 : i32
    %dma_start3A_14 = arith.constant 0 : i32
    %dma_start3A_15 = tpu.memref_slice %arg2[%dma_start3A_13, %dma_start3A_14] : memref<140000x128xf32, #tpu.memory_space<hbm>> -> memref<140000x128xf32, #tpu.memory_space<hbm>>
    tpu.enqueue_indirect_dma source(%dma_start3A_15 : memref<140000x128xf32, #tpu.memory_space<hbm>>) target(%dma_start3A_9 : memref<128x128xf32, #tpu.memory_space<vmem>>) offsets(%dma_start3A_12 : memref<128xi32, #tpu.memory_space<vmem>>) semaphore(%arg11 : memref<!tpu.dma_semaphore, #tpu.memory_space<semaphore_mem>>)
    %broadcast_in_dim3A = arith.constant 0.000000e+00 : f32
    %broadcast_in_dim3A_16 = vector.broadcast %broadcast_in_dim3A : f32 to vector<16xf32>
    %scan3A = arith.constant 0 : i32
    %scan3A_17 = arith.constant 128 : i32
    %scan3A_18 = arith.addi %scan3A, %scan3A_17 : i32
    %scan3A_19 = arith.constant 1 : i32
    scf.for %scan3A_67 = %scan3A to %scan3A_18 step %scan3A_19  : i32 {
      %mul3A_68 = arith.constant 1 : i32
      %mul3A_69 = arith.muli %scan3A_67, %mul3A_68 : i32
      %add3A_70 = arith.constant 0 : i32
      %add3A_71 = arith.addi %add3A_70, %mul3A_69 : i32
      %swap3A = arith.constant 0 : i32
      %swap3A_72 = arith.index_cast %swap3A : i32 to index
      %swap3A_73 = arith.index_cast %add3A_71 : i32 to index
      %swap3A_74 = arith.constant 0 : index
      %swap3A_75 = tpu.vector_load %arg8[%swap3A_72, %swap3A_73, %swap3A_74] {strides = array<i32>} : memref<2x128x128xf32, #tpu.memory_space<vmem>>, vector<1x1x16xf32>,
      %swap3A_76 = vector.shape_cast %swap3A_75 : vector<1x1x16xf32> to vector<16xf32>
      %swap3A_77 = vector.shape_cast %broadcast_in_dim3A_16 : vector<16xf32> to vector<1x1x16xf32>
      tpu.vector_store %arg8[%swap3A_72, %swap3A_73, %swap3A_74], %swap3A_77 {strides = array<i32>} : memref<2x128x128xf32, #tpu.memory_space<vmem>>, vector<1x1x16xf32>,
      %swap3A_78 = arith.constant 0 : i32
      %swap3A_79 = arith.index_cast %swap3A_78 : i32 to index
      %swap3A_80 = arith.index_cast %add3A_71 : i32 to index
      %swap3A_81 = arith.constant 16 : index
      %swap3A_82 = tpu.vector_load %arg8[%swap3A_79, %swap3A_80, %swap3A_81] {strides = array<i32>} : memref<2x128x128xf32, #tpu.memory_space<vmem>>, vector<1x1x16xf32>,
      %swap3A_83 = vector.shape_cast %swap3A_82 : vector<1x1x16xf32> to vector<16xf32>
      %swap3A_84 = vector.shape_cast %broadcast_in_dim3A_16 : vector<16xf32> to vector<1x1x16xf32>
      tpu.vector_store %arg8[%swap3A_79, %swap3A_80, %swap3A_81], %swap3A_84 {strides = array<i32>} : memref<2x128x128xf32, #tpu.memory_space<vmem>>, vector<1x1x16xf32>,
      %swap3A_85 = arith.constant 0 : i32
      %swap3A_86 = arith.index_cast %swap3A_85 : i32 to index
      %swap3A_87 = arith.index_cast %add3A_71 : i32 to index
      %swap3A_88 = arith.constant 32 : index
      %swap3A_89 = tpu.vector_load %arg8[%swap3A_86, %swap3A_87, %swap3A_88] {strides = array<i32>} : memref<2x128x128xf32, #tpu.memory_space<vmem>>, vector<1x1x16xf32>,
      %swap3A_90 = vector.shape_cast %swap3A_89 : vector<1x1x16xf32> to vector<16xf32>
      %swap3A_91 = vector.shape_cast %broadcast_in_dim3A_16 : vector<16xf32> to vector<1x1x16xf32>
      tpu.vector_store %arg8[%swap3A_86, %swap3A_87, %swap3A_88], %swap3A_91 {strides = array<i32>} : memref<2x128x128xf32, #tpu.memory_space<vmem>>, vector<1x1x16xf32>,
      %swap3A_92 = arith.constant 0 : i32
      %swap3A_93 = arith.index_cast %swap3A_92 : i32 to index
      %swap3A_94 = arith.index_cast %add3A_71 : i32 to index
      %swap3A_95 = arith.constant 48 : index
      %swap3A_96 = tpu.vector_load %arg8[%swap3A_93, %swap3A_94, %swap3A_95] {strides = array<i32>} : memref<2x128x128xf32, #tpu.memory_space<vmem>>, vector<1x1x16xf32>,
      %swap3A_97 = vector.shape_cast %swap3A_96 : vector<1x1x16xf32> to vector<16xf32>
      %swap3A_98 = vector.shape_cast %broadcast_in_dim3A_16 : vector<16xf32> to vector<1x1x16xf32>
      tpu.vector_store %arg8[%swap3A_93, %swap3A_94, %swap3A_95], %swap3A_98 {strides = array<i32>} : memref<2x128x128xf32, #tpu.memory_space<vmem>>, vector<1x1x16xf32>,
      %swap3A_99 = arith.constant 0 : i32
      %swap3A_100 = arith.index_cast %swap3A_99 : i32 to index
      %swap3A_101 = arith.index_cast %add3A_71 : i32 to index
      %swap3A_102 = arith.constant 64 : index
      %swap3A_103 = tpu.vector_load %arg8[%swap3A_100, %swap3A_101, %swap3A_102] {strides = array<i32>} : memref<2x128x128xf32, #tpu.memory_space<vmem>>, vector<1x1x16xf32>,
      %swap3A_104 = vector.shape_cast %swap3A_103 : vector<1x1x16xf32> to vector<16xf32>
      %swap3A_105 = vector.shape_cast %broadcast_in_dim3A_16 : vector<16xf32> to vector<1x1x16xf32>
      tpu.vector_store %arg8[%swap3A_100, %swap3A_101, %swap3A_102], %swap3A_105 {strides = array<i32>} : memref<2x128x128xf32, #tpu.memory_space<vmem>>, vector<1x1x16xf32>,
      %swap3A_106 = arith.constant 0 : i32
      %swap3A_107 = arith.index_cast %swap3A_106 : i32 to index
      %swap3A_108 = arith.index_cast %add3A_71 : i32 to index
      %swap3A_109 = arith.constant 80 : index
      %swap3A_110 = tpu.vector_load %arg8[%swap3A_107, %swap3A_108, %swap3A_109] {strides = array<i32>} : memref<2x128x128xf32, #tpu.memory_space<vmem>>, vector<1x1x16xf32>,
      %swap3A_111 = vector.shape_cast %swap3A_110 : vector<1x1x16xf32> to vector<16xf32>
      %swap3A_112 = vector.shape_cast %broadcast_in_dim3A_16 : vector<16xf32> to vector<1x1x16xf32>
      tpu.vector_store %arg8[%swap3A_107, %swap3A_108, %swap3A_109], %swap3A_112 {strides = array<i32>} : memref<2x128x128xf32, #tpu.memory_space<vmem>>, vector<1x1x16xf32>,
      %swap3A_113 = arith.constant 0 : i32
      %swap3A_114 = arith.index_cast %swap3A_113 : i32 to index
      %swap3A_115 = arith.index_cast %add3A_71 : i32 to index
      %swap3A_116 = arith.constant 96 : index
      %swap3A_117 = tpu.vector_load %arg8[%swap3A_114, %swap3A_115, %swap3A_116] {strides = array<i32>} : memref<2x128x128xf32, #tpu.memory_space<vmem>>, vector<1x1x16xf32>,
      %swap3A_118 = vector.shape_cast %swap3A_117 : vector<1x1x16xf32> to vector<16xf32>
      %swap3A_119 = vector.shape_cast %broadcast_in_dim3A_16 : vector<16xf32> to vector<1x1x16xf32>
      tpu.vector_store %arg8[%swap3A_114, %swap3A_115, %swap3A_116], %swap3A_119 {strides = array<i32>} : memref<2x128x128xf32, #tpu.memory_space<vmem>>, vector<1x1x16xf32>,
      %swap3A_120 = arith.constant 0 : i32
      %swap3A_121 = arith.index_cast %swap3A_120 : i32 to index
      %swap3A_122 = arith.index_cast %add3A_71 : i32 to index
      %swap3A_123 = arith.constant 112 : index
      %swap3A_124 = tpu.vector_load %arg8[%swap3A_121, %swap3A_122, %swap3A_123] {strides = array<i32>} : memref<2x128x128xf32, #tpu.memory_space<vmem>>, vector<1x1x16xf32>,
      %swap3A_125 = vector.shape_cast %swap3A_124 : vector<1x1x16xf32> to vector<16xf32>
      %swap3A_126 = vector.shape_cast %broadcast_in_dim3A_16 : vector<16xf32> to vector<1x1x16xf32>
      tpu.vector_store %arg8[%swap3A_121, %swap3A_122, %swap3A_123], %swap3A_126 {strides = array<i32>} : memref<2x128x128xf32, #tpu.memory_space<vmem>>, vector<1x1x16xf32>,
    }
    %scan3A_20 = arith.constant 128 : i32
    %mul3A_21 = arith.constant 640 : i32
    %mul3A_22 = arith.muli %arg1, %mul3A_21 : i32
    %add3A_23 = arith.constant 0 : i32
    %add3A_24 = arith.addi %mul3A_22, %add3A_23 : i32
    %run_scoped3A = arith.constant 0 : i32
    "tpu.region"() ({
      %run_scoped3A_67 = tpu.sem_alloc : memref<!tpu.dma_semaphore, #tpu.memory_space<semaphore_mem>>
      %dma_start3A_68 = arith.constant 0 : i32
      %dma_start3A_69 = arith.constant 0 : i32
      %dma_start3A_70 = tpu.memref_slice %arg8[%run_scoped3A, %dma_start3A_68, %dma_start3A_69] : memref<2x128x128xf32, #tpu.memory_space<vmem>> -> memref<1x128x128xf32, #tpu.memory_space<vmem>>
      %dma_start3A_71 = tpu.memref_squeeze %dma_start3A_70 : memref<1x128x128xf32, #tpu.memory_space<vmem>> -> memref<128x128xf32, #tpu.memory_space<vmem>>
      %dma_start3A_72 = arith.constant 0 : i32
      %dma_start3A_73 = tpu.memref_slice %arg9[%add3A_24, %dma_start3A_72] : memref<10240x128xf32, #tpu.memory_space<vmem_shared>> -> memref<128x128xf32, #tpu.memory_space<vmem_shared>>
      %dma_start3A_74 = arith.constant 0 : i32
      %dma_start3A_75 = tpu.memref_slice %arg9[%add3A_24, %dma_start3A_74] : memref<10240x128xf32, #tpu.memory_space<vmem_shared>> -> memref<128x128xf32, #tpu.memory_space<vmem_shared>>
      %dma_start3A_76 = arith.constant 0 : i32
      %dma_start3A_77 = arith.constant 0 : i32
      %dma_start3A_78 = tpu.memref_slice %arg8[%run_scoped3A, %dma_start3A_76, %dma_start3A_77] : memref<2x128x128xf32, #tpu.memory_space<vmem>> -> memref<1x128x128xf32, #tpu.memory_space<vmem>>
      %dma_start3A_79 = tpu.memref_squeeze %dma_start3A_78 : memref<1x128x128xf32, #tpu.memory_space<vmem>> -> memref<128x128xf32, #tpu.memory_space<vmem>>
      tpu.enqueue_dma source(%dma_start3A_79 : memref<128x128xf32, #tpu.memory_space<vmem>>) target(%dma_start3A_75 : memref<128x128xf32, #tpu.memory_space<vmem_shared>>) target_semaphore(%run_scoped3A_67 : memref<!tpu.dma_semaphore, #tpu.memory_space<semaphore_mem>>)
      %dma_wait3A = arith.constant 0 : i32
      %dma_wait3A_80 = arith.constant 0 : i32
      %dma_wait3A_81 = tpu.memref_slice %arg8[%run_scoped3A, %dma_wait3A, %dma_wait3A_80] : memref<2x128x128xf32, #tpu.memory_space<vmem>> -> memref<1x128x128xf32, #tpu.memory_space<vmem>>
      %dma_wait3A_82 = tpu.memref_squeeze %dma_wait3A_81 : memref<1x128x128xf32, #tpu.memory_space<vmem>> -> memref<128x128xf32, #tpu.memory_space<vmem>>
      %dma_wait3A_83 = arith.constant 0 : i32
      %dma_wait3A_84 = tpu.memref_slice %arg9[%add3A_24, %dma_wait3A_83] : memref<10240x128xf32, #tpu.memory_space<vmem_shared>> -> memref<128x128xf32, #tpu.memory_space<vmem_shared>>
      %dma_wait3A_85 = arith.constant 0 : i32
      %dma_wait3A_86 = tpu.memref_slice %arg9[%add3A_24, %dma_wait3A_85] : memref<10240x128xf32, #tpu.memory_space<vmem_shared>> -> memref<128x128xf32, #tpu.memory_space<vmem_shared>>
      %dma_wait3A_87 = arith.constant 0 : i32
      %dma_wait3A_88 = arith.constant 0 : i32
      %dma_wait3A_89 = tpu.memref_slice %arg8[%run_scoped3A, %dma_wait3A_87, %dma_wait3A_88] : memref<2x128x128xf32, #tpu.memory_space<vmem>> -> memref<1x128x128xf32, #tpu.memory_space<vmem>>
      %dma_wait3A_90 = tpu.memref_squeeze %dma_wait3A_89 : memref<1x128x128xf32, #tpu.memory_space<vmem>> -> memref<128x128xf32, #tpu.memory_space<vmem>>
      tpu.wait_dma2 semaphore(%run_scoped3A_67 : memref<!tpu.dma_semaphore, #tpu.memory_space<semaphore_mem>>) src(%dma_wait3A_90 : memref<128x128xf32, #tpu.memory_space<vmem>>) dst(%dma_wait3A_86 : memref<128x128xf32, #tpu.memory_space<vmem_shared>>)
      tpu.yield
    }) : () -> ()
    %mul3A_25 = arith.constant 640 : i32
    %mul3A_26 = arith.muli %arg1, %mul3A_25 : i32
    %add3A_27 = arith.constant 128 : i32
    %add3A_28 = arith.addi %mul3A_26, %add3A_27 : i32
    %run_scoped3A_29 = arith.constant 0 : i32
    "tpu.region"() ({
      %run_scoped3A_67 = tpu.sem_alloc : memref<!tpu.dma_semaphore, #tpu.memory_space<semaphore_mem>>
      %dma_start3A_68 = arith.constant 0 : i32
      %dma_start3A_69 = arith.constant 0 : i32
      %dma_start3A_70 = tpu.memref_slice %arg8[%run_scoped3A_29, %dma_start3A_68, %dma_start3A_69] : memref<2x128x128xf32, #tpu.memory_space<vmem>> -> memref<1x128x128xf32, #tpu.memory_space<vmem>>
      %dma_start3A_71 = tpu.memref_squeeze %dma_start3A_70 : memref<1x128x128xf32, #tpu.memory_space<vmem>> -> memref<128x128xf32, #tpu.memory_space<vmem>>
      %dma_start3A_72 = arith.constant 0 : i32
      %dma_start3A_73 = tpu.memref_slice %arg9[%add3A_28, %dma_start3A_72] : memref<10240x128xf32, #tpu.memory_space<vmem_shared>> -> memref<128x128xf32, #tpu.memory_space<vmem_shared>>
      %dma_start3A_74 = arith.constant 0 : i32
      %dma_start3A_75 = tpu.memref_slice %arg9[%add3A_28, %dma_start3A_74] : memref<10240x128xf32, #tpu.memory_space<vmem_shared>> -> memref<128x128xf32, #tpu.memory_space<vmem_shared>>
      %dma_start3A_76 = arith.constant 0 : i32
      %dma_start3A_77 = arith.constant 0 : i32
      %dma_start3A_78 = tpu.memref_slice %arg8[%run_scoped3A_29, %dma_start3A_76, %dma_start3A_77] : memref<2x128x128xf32, #tpu.memory_space<vmem>> -> memref<1x128x128xf32, #tpu.memory_space<vmem>>
      %dma_start3A_79 = tpu.memref_squeeze %dma_start3A_78 : memref<1x128x128xf32, #tpu.memory_space<vmem>> -> memref<128x128xf32, #tpu.memory_space<vmem>>
      tpu.enqueue_dma source(%dma_start3A_79 : memref<128x128xf32, #tpu.memory_space<vmem>>) target(%dma_start3A_75 : memref<128x128xf32, #tpu.memory_space<vmem_shared>>) target_semaphore(%run_scoped3A_67 : memref<!tpu.dma_semaphore, #tpu.memory_space<semaphore_mem>>)
      %dma_wait3A = arith.constant 0 : i32
      %dma_wait3A_80 = arith.constant 0 : i32
      %dma_wait3A_81 = tpu.memref_slice %arg8[%run_scoped3A_29, %dma_wait3A, %dma_wait3A_80] : memref<2x128x128xf32, #tpu.memory_space<vmem>> -> memref<1x128x128xf32, #tpu.memory_space<vmem>>
      %dma_wait3A_82 = tpu.memref_squeeze %dma_wait3A_81 : memref<1x128x128xf32, #tpu.memory_space<vmem>> -> memref<128x128xf32, #tpu.memory_space<vmem>>
      %dma_wait3A_83 = arith.constant 0 : i32
      %dma_wait3A_84 = tpu.memref_slice %arg9[%add3A_28, %dma_wait3A_83] : memref<10240x128xf32, #tpu.memory_space<vmem_shared>> -> memref<128x128xf32, #tpu.memory_space<vmem_shared>>
      %dma_wait3A_85 = arith.constant 0 : i32
      %dma_wait3A_86 = tpu.memref_slice %arg9[%add3A_28, %dma_wait3A_85] : memref<10240x128xf32, #tpu.memory_space<vmem_shared>> -> memref<128x128xf32, #tpu.memory_space<vmem_shared>>
      %dma_wait3A_87 = arith.constant 0 : i32
      %dma_wait3A_88 = arith.constant 0 : i32
      %dma_wait3A_89 = tpu.memref_slice %arg8[%run_scoped3A_29, %dma_wait3A_87, %dma_wait3A_88] : memref<2x128x128xf32, #tpu.memory_space<vmem>> -> memref<1x128x128xf32, #tpu.memory_space<vmem>>
      %dma_wait3A_90 = tpu.memref_squeeze %dma_wait3A_89 : memref<1x128x128xf32, #tpu.memory_space<vmem>> -> memref<128x128xf32, #tpu.memory_space<vmem>>
      tpu.wait_dma2 semaphore(%run_scoped3A_67 : memref<!tpu.dma_semaphore, #tpu.memory_space<semaphore_mem>>) src(%dma_wait3A_90 : memref<128x128xf32, #tpu.memory_space<vmem>>) dst(%dma_wait3A_86 : memref<128x128xf32, #tpu.memory_space<vmem_shared>>)
      tpu.yield
    }) : () -> ()
    %mul3A_30 = arith.constant 640 : i32
    %mul3A_31 = arith.muli %arg1, %mul3A_30 : i32
    %add3A_32 = arith.constant 256 : i32
    %add3A_33 = arith.addi %mul3A_31, %add3A_32 : i32
    %run_scoped3A_34 = arith.constant 0 : i32
    "tpu.region"() ({
      %run_scoped3A_67 = tpu.sem_alloc : memref<!tpu.dma_semaphore, #tpu.memory_space<semaphore_mem>>
      %dma_start3A_68 = arith.constant 0 : i32
      %dma_start3A_69 = arith.constant 0 : i32
      %dma_start3A_70 = tpu.memref_slice %arg8[%run_scoped3A_34, %dma_start3A_68, %dma_start3A_69] : memref<2x128x128xf32, #tpu.memory_space<vmem>> -> memref<1x128x128xf32, #tpu.memory_space<vmem>>
      %dma_start3A_71 = tpu.memref_squeeze %dma_start3A_70 : memref<1x128x128xf32, #tpu.memory_space<vmem>> -> memref<128x128xf32, #tpu.memory_space<vmem>>
      %dma_start3A_72 = arith.constant 0 : i32
      %dma_start3A_73 = tpu.memref_slice %arg9[%add3A_33, %dma_start3A_72] : memref<10240x128xf32, #tpu.memory_space<vmem_shared>> -> memref<128x128xf32, #tpu.memory_space<vmem_shared>>
      %dma_start3A_74 = arith.constant 0 : i32
      %dma_start3A_75 = tpu.memref_slice %arg9[%add3A_33, %dma_start3A_74] : memref<10240x128xf32, #tpu.memory_space<vmem_shared>> -> memref<128x128xf32, #tpu.memory_space<vmem_shared>>
      %dma_start3A_76 = arith.constant 0 : i32
      %dma_start3A_77 = arith.constant 0 : i32
      %dma_start3A_78 = tpu.memref_slice %arg8[%run_scoped3A_34, %dma_start3A_76, %dma_start3A_77] : memref<2x128x128xf32, #tpu.memory_space<vmem>> -> memref<1x128x128xf32, #tpu.memory_space<vmem>>
      %dma_start3A_79 = tpu.memref_squeeze %dma_start3A_78 : memref<1x128x128xf32, #tpu.memory_space<vmem>> -> memref<128x128xf32, #tpu.memory_space<vmem>>
      tpu.enqueue_dma source(%dma_start3A_79 : memref<128x128xf32, #tpu.memory_space<vmem>>) target(%dma_start3A_75 : memref<128x128xf32, #tpu.memory_space<vmem_shared>>) target_semaphore(%run_scoped3A_67 : memref<!tpu.dma_semaphore, #tpu.memory_space<semaphore_mem>>)
      %dma_wait3A = arith.constant 0 : i32
      %dma_wait3A_80 = arith.constant 0 : i32
      %dma_wait3A_81 = tpu.memref_slice %arg8[%run_scoped3A_34, %dma_wait3A, %dma_wait3A_80] : memref<2x128x128xf32, #tpu.memory_space<vmem>> -> memref<1x128x128xf32, #tpu.memory_space<vmem>>
      %dma_wait3A_82 = tpu.memref_squeeze %dma_wait3A_81 : memref<1x128x128xf32, #tpu.memory_space<vmem>> -> memref<128x128xf32, #tpu.memory_space<vmem>>
      %dma_wait3A_83 = arith.constant 0 : i32
      %dma_wait3A_84 = tpu.memref_slice %arg9[%add3A_33, %dma_wait3A_83] : memref<10240x128xf32, #tpu.memory_space<vmem_shared>> -> memref<128x128xf32, #tpu.memory_space<vmem_shared>>
      %dma_wait3A_85 = arith.constant 0 : i32
      %dma_wait3A_86 = tpu.memref_slice %arg9[%add3A_33, %dma_wait3A_85] : memref<10240x128xf32, #tpu.memory_space<vmem_shared>> -> memref<128x128xf32, #tpu.memory_space<vmem_shared>>
      %dma_wait3A_87 = arith.constant 0 : i32
      %dma_wait3A_88 = arith.constant 0 : i32
      %dma_wait3A_89 = tpu.memref_slice %arg8[%run_scoped3A_34, %dma_wait3A_87, %dma_wait3A_88] : memref<2x128x128xf32, #tpu.memory_space<vmem>> -> memref<1x128x128xf32, #tpu.memory_space<vmem>>
      %dma_wait3A_90 = tpu.memref_squeeze %dma_wait3A_89 : memref<1x128x128xf32, #tpu.memory_space<vmem>> -> memref<128x128xf32, #tpu.memory_space<vmem>>
      tpu.wait_dma2 semaphore(%run_scoped3A_67 : memref<!tpu.dma_semaphore, #tpu.memory_space<semaphore_mem>>) src(%dma_wait3A_90 : memref<128x128xf32, #tpu.memory_space<vmem>>) dst(%dma_wait3A_86 : memref<128x128xf32, #tpu.memory_space<vmem_shared>>)
      tpu.yield
    }) : () -> ()
    %mul3A_35 = arith.constant 640 : i32
    %mul3A_36 = arith.muli %arg1, %mul3A_35 : i32
    %add3A_37 = arith.constant 384 : i32
    %add3A_38 = arith.addi %mul3A_36, %add3A_37 : i32
    %run_scoped3A_39 = arith.constant 0 : i32
    "tpu.region"() ({
      %run_scoped3A_67 = tpu.sem_alloc : memref<!tpu.dma_semaphore, #tpu.memory_space<semaphore_mem>>
      %dma_start3A_68 = arith.constant 0 : i32
      %dma_start3A_69 = arith.constant 0 : i32
      %dma_start3A_70 = tpu.memref_slice %arg8[%run_scoped3A_39, %dma_start3A_68, %dma_start3A_69] : memref<2x128x128xf32, #tpu.memory_space<vmem>> -> memref<1x128x128xf32, #tpu.memory_space<vmem>>
      %dma_start3A_71 = tpu.memref_squeeze %dma_start3A_70 : memref<1x128x128xf32, #tpu.memory_space<vmem>> -> memref<128x128xf32, #tpu.memory_space<vmem>>
      %dma_start3A_72 = arith.constant 0 : i32
      %dma_start3A_73 = tpu.memref_slice %arg9[%add3A_38, %dma_start3A_72] : memref<10240x128xf32, #tpu.memory_space<vmem_shared>> -> memref<128x128xf32, #tpu.memory_space<vmem_shared>>
      %dma_start3A_74 = arith.constant 0 : i32
      %dma_start3A_75 = tpu.memref_slice %arg9[%add3A_38, %dma_start3A_74] : memref<10240x128xf32, #tpu.memory_space<vmem_shared>> -> memref<128x128xf32, #tpu.memory_space<vmem_shared>>
      %dma_start3A_76 = arith.constant 0 : i32
      %dma_start3A_77 = arith.constant 0 : i32
      %dma_start3A_78 = tpu.memref_slice %arg8[%run_scoped3A_39, %dma_start3A_76, %dma_start3A_77] : memref<2x128x128xf32, #tpu.memory_space<vmem>> -> memref<1x128x128xf32, #tpu.memory_space<vmem>>
      %dma_start3A_79 = tpu.memref_squeeze %dma_start3A_78 : memref<1x128x128xf32, #tpu.memory_space<vmem>> -> memref<128x128xf32, #tpu.memory_space<vmem>>
      tpu.enqueue_dma source(%dma_start3A_79 : memref<128x128xf32, #tpu.memory_space<vmem>>) target(%dma_start3A_75 : memref<128x128xf32, #tpu.memory_space<vmem_shared>>) target_semaphore(%run_scoped3A_67 : memref<!tpu.dma_semaphore, #tpu.memory_space<semaphore_mem>>)
      %dma_wait3A = arith.constant 0 : i32
      %dma_wait3A_80 = arith.constant 0 : i32
      %dma_wait3A_81 = tpu.memref_slice %arg8[%run_scoped3A_39, %dma_wait3A, %dma_wait3A_80] : memref<2x128x128xf32, #tpu.memory_space<vmem>> -> memref<1x128x128xf32, #tpu.memory_space<vmem>>
      %dma_wait3A_82 = tpu.memref_squeeze %dma_wait3A_81 : memref<1x128x128xf32, #tpu.memory_space<vmem>> -> memref<128x128xf32, #tpu.memory_space<vmem>>
      %dma_wait3A_83 = arith.constant 0 : i32
      %dma_wait3A_84 = tpu.memref_slice %arg9[%add3A_38, %dma_wait3A_83] : memref<10240x128xf32, #tpu.memory_space<vmem_shared>> -> memref<128x128xf32, #tpu.memory_space<vmem_shared>>
      %dma_wait3A_85 = arith.constant 0 : i32
      %dma_wait3A_86 = tpu.memref_slice %arg9[%add3A_38, %dma_wait3A_85] : memref<10240x128xf32, #tpu.memory_space<vmem_shared>> -> memref<128x128xf32, #tpu.memory_space<vmem_shared>>
      %dma_wait3A_87 = arith.constant 0 : i32
      %dma_wait3A_88 = arith.constant 0 : i32
      %dma_wait3A_89 = tpu.memref_slice %arg8[%run_scoped3A_39, %dma_wait3A_87, %dma_wait3A_88] : memref<2x128x128xf32, #tpu.memory_space<vmem>> -> memref<1x128x128xf32, #tpu.memory_space<vmem>>
      %dma_wait3A_90 = tpu.memref_squeeze %dma_wait3A_89 : memref<1x128x128xf32, #tpu.memory_space<vmem>> -> memref<128x128xf32, #tpu.memory_space<vmem>>
      tpu.wait_dma2 semaphore(%run_scoped3A_67 : memref<!tpu.dma_semaphore, #tpu.memory_space<semaphore_mem>>) src(%dma_wait3A_90 : memref<128x128xf32, #tpu.memory_space<vmem>>) dst(%dma_wait3A_86 : memref<128x128xf32, #tpu.memory_space<vmem_shared>>)
      tpu.yield
    }) : () -> ()
    %mul3A_40 = arith.constant 640 : i32
    %mul3A_41 = arith.muli %arg1, %mul3A_40 : i32
    %add3A_42 = arith.constant 512 : i32
    %add3A_43 = arith.addi %mul3A_41, %add3A_42 : i32
    %run_scoped3A_44 = arith.constant 0 : i32
    "tpu.region"() ({
      %run_scoped3A_67 = tpu.sem_alloc : memref<!tpu.dma_semaphore, #tpu.memory_space<semaphore_mem>>
      %dma_start3A_68 = arith.constant 0 : i32
      %dma_start3A_69 = arith.constant 0 : i32
      %dma_start3A_70 = tpu.memref_slice %arg8[%run_scoped3A_44, %dma_start3A_68, %dma_start3A_69] : memref<2x128x128xf32, #tpu.memory_space<vmem>> -> memref<1x128x128xf32, #tpu.memory_space<vmem>>
      %dma_start3A_71 = tpu.memref_squeeze %dma_start3A_70 : memref<1x128x128xf32, #tpu.memory_space<vmem>> -> memref<128x128xf32, #tpu.memory_space<vmem>>
      %dma_start3A_72 = arith.constant 0 : i32
      %dma_start3A_73 = tpu.memref_slice %arg9[%add3A_43, %dma_start3A_72] : memref<10240x128xf32, #tpu.memory_space<vmem_shared>> -> memref<128x128xf32, #tpu.memory_space<vmem_shared>>
      %dma_start3A_74 = arith.constant 0 : i32
      %dma_start3A_75 = tpu.memref_slice %arg9[%add3A_43, %dma_start3A_74] : memref<10240x128xf32, #tpu.memory_space<vmem_shared>> -> memref<128x128xf32, #tpu.memory_space<vmem_shared>>
      %dma_start3A_76 = arith.constant 0 : i32
      %dma_start3A_77 = arith.constant 0 : i32
      %dma_start3A_78 = tpu.memref_slice %arg8[%run_scoped3A_44, %dma_start3A_76, %dma_start3A_77] : memref<2x128x128xf32, #tpu.memory_space<vmem>> -> memref<1x128x128xf32, #tpu.memory_space<vmem>>
      %dma_start3A_79 = tpu.memref_squeeze %dma_start3A_78 : memref<1x128x128xf32, #tpu.memory_space<vmem>> -> memref<128x128xf32, #tpu.memory_space<vmem>>
      tpu.enqueue_dma source(%dma_start3A_79 : memref<128x128xf32, #tpu.memory_space<vmem>>) target(%dma_start3A_75 : memref<128x128xf32, #tpu.memory_space<vmem_shared>>) target_semaphore(%run_scoped3A_67 : memref<!tpu.dma_semaphore, #tpu.memory_space<semaphore_mem>>)
      %dma_wait3A = arith.constant 0 : i32
      %dma_wait3A_80 = arith.constant 0 : i32
      %dma_wait3A_81 = tpu.memref_slice %arg8[%run_scoped3A_44, %dma_wait3A, %dma_wait3A_80] : memref<2x128x128xf32, #tpu.memory_space<vmem>> -> memref<1x128x128xf32, #tpu.memory_space<vmem>>
      %dma_wait3A_82 = tpu.memref_squeeze %dma_wait3A_81 : memref<1x128x128xf32, #tpu.memory_space<vmem>> -> memref<128x128xf32, #tpu.memory_space<vmem>>
      %dma_wait3A_83 = arith.constant 0 : i32
      %dma_wait3A_84 = tpu.memref_slice %arg9[%add3A_43, %dma_wait3A_83] : memref<10240x128xf32, #tpu.memory_space<vmem_shared>> -> memref<128x128xf32, #tpu.memory_space<vmem_shared>>
      %dma_wait3A_85 = arith.constant 0 : i32
      %dma_wait3A_86 = tpu.memref_slice %arg9[%add3A_43, %dma_wait3A_85] : memref<10240x128xf32, #tpu.memory_space<vmem_shared>> -> memref<128x128xf32, #tpu.memory_space<vmem_shared>>
      %dma_wait3A_87 = arith.constant 0 : i32
      %dma_wait3A_88 = arith.constant 0 : i32
      %dma_wait3A_89 = tpu.memref_slice %arg8[%run_scoped3A_44, %dma_wait3A_87, %dma_wait3A_88] : memref<2x128x128xf32, #tpu.memory_space<vmem>> -> memref<1x128x128xf32, #tpu.memory_space<vmem>>
      %dma_wait3A_90 = tpu.memref_squeeze %dma_wait3A_89 : memref<1x128x128xf32, #tpu.memory_space<vmem>> -> memref<128x128xf32, #tpu.memory_space<vmem>>
      tpu.wait_dma2 semaphore(%run_scoped3A_67 : memref<!tpu.dma_semaphore, #tpu.memory_space<semaphore_mem>>) src(%dma_wait3A_90 : memref<128x128xf32, #tpu.memory_space<vmem>>) dst(%dma_wait3A_86 : memref<128x128xf32, #tpu.memory_space<vmem_shared>>)
      tpu.yield
    }) : () -> ()
    %dma_start3A_45 = arith.constant 0 : i32
    %dma_start3A_46 = arith.constant 0 : i32
    %dma_start3A_47 = arith.constant 0 : i32
    %dma_start3A_48 = arith.constant 0 : i32
    %dma_start3A_49 = tpu.memref_slice %arg8[%dma_start3A_46, %dma_start3A_47, %dma_start3A_48] : memref<2x128x128xf32, #tpu.memory_space<vmem>> -> memref<1x128x128xf32, #tpu.memory_space<vmem>>
    %dma_start3A_50 = tpu.memref_squeeze %dma_start3A_49 : memref<1x128x128xf32, #tpu.memory_space<vmem>> -> memref<128x128xf32, #tpu.memory_space<vmem>>
    %dma_start3A_51 = arith.constant 0 : i32
    %dma_start3A_52 = tpu.memref_slice %arg6[%dma_start3A_45, %dma_start3A_51] : memref<40x128xi32, #tpu.memory_space<vmem>> -> memref<1x128xi32, #tpu.memory_space<vmem>>
    %dma_start3A_53 = tpu.memref_squeeze %dma_start3A_52 : memref<1x128xi32, #tpu.memory_space<vmem>> -> memref<128xi32, #tpu.memory_space<vmem>>
    %dma_start3A_54 = arith.constant 0 : i32
    %dma_start3A_55 = arith.constant 0 : i32
    %dma_start3A_56 = tpu.memref_slice %arg2[%dma_start3A_54, %dma_start3A_55] : memref<140000x128xf32, #tpu.memory_space<hbm>> -> memref<140000x128xf32, #tpu.memory_space<hbm>>
    tpu.enqueue_indirect_dma source(%dma_start3A_56 : memref<140000x128xf32, #tpu.memory_space<hbm>>) target(%dma_start3A_50 : memref<128x128xf32, #tpu.memory_space<vmem>>) offsets(%dma_start3A_53 : memref<128xi32, #tpu.memory_space<vmem>>) semaphore(%arg10 : memref<!tpu.dma_semaphore, #tpu.memory_space<semaphore_mem>>)
    %barrier3A = arith.constant 0 : index
    tpu.barrier barrier_id(%barrier3A)
    %scan3A_57 = arith.constant 0 : i32
    %scan3A_58 = arith.constant 20 : i32
    %scan3A_59 = arith.addi %scan3A_57, %scan3A_58 : i32
    %scan3A_60 = arith.constant 1 : i32
    scf.for %scan3A_67 = %scan3A_57 to %scan3A_59 step %scan3A_60  : i32 {
      %mul3A_68 = arith.constant 1 : i32
      %mul3A_69 = arith.muli %scan3A_67, %mul3A_68 : i32
      %add3A_70 = arith.constant 0 : i32
      %add3A_71 = arith.addi %add3A_70, %mul3A_69 : i32
      %mul3A_72 = arith.constant 2 : i32
      %mul3A_73 = arith.muli %add3A_71, %mul3A_72 : i32
      %add3A_74 = arith.constant 1 : i32
      %add3A_75 = arith.addi %mul3A_73, %add3A_74 : i32
      %dma_wait3A = arith.constant 0 : i32
      %dma_wait3A_76 = arith.constant 0 : i32
      %dma_wait3A_77 = arith.constant 0 : i32
      %dma_wait3A_78 = tpu.memref_slice %arg8[%dma_wait3A, %dma_wait3A_76, %dma_wait3A_77] : memref<2x128x128xf32, #tpu.memory_space<vmem>> -> memref<1x128x128xf32, #tpu.memory_space<vmem>>
      %dma_wait3A_79 = tpu.memref_squeeze %dma_wait3A_78 : memref<1x128x128xf32, #tpu.memory_space<vmem>> -> memref<128x128xf32, #tpu.memory_space<vmem>>
      %dma_wait3A_80 = arith.constant 0 : i32
      %dma_wait3A_81 = tpu.memref_slice %arg6[%mul3A_73, %dma_wait3A_80] : memref<40x128xi32, #tpu.memory_space<vmem>> -> memref<1x128xi32, #tpu.memory_space<vmem>>
      %dma_wait3A_82 = tpu.memref_squeeze %dma_wait3A_81 : memref<1x128xi32, #tpu.memory_space<vmem>> -> memref<128xi32, #tpu.memory_space<vmem>>
      %dma_wait3A_83 = arith.constant 0 : i32
      %dma_wait3A_84 = arith.constant 0 : i32
      %dma_wait3A_85 = tpu.memref_slice %arg2[%dma_wait3A_83, %dma_wait3A_84] : memref<140000x128xf32, #tpu.memory_space<hbm>> -> memref<140000x128xf32, #tpu.memory_space<hbm>>
      tpu.wait_indirect_dma semaphore(%arg10 : memref<!tpu.dma_semaphore, #tpu.memory_space<semaphore_mem>>) src(%dma_wait3A_85 : memref<140000x128xf32, #tpu.memory_space<hbm>>) dst(%dma_wait3A_79 : memref<128x128xf32, #tpu.memory_space<vmem>>)
      %run_scoped3A_86 = arith.constant 0 : i32
      "tpu.region"() ({
        %run_scoped3A_106 = tpu.sem_alloc : memref<!tpu.dma_semaphore, #tpu.memory_space<semaphore_mem>>
        %dma_start3A_107 = arith.constant 0 : i32
        %dma_start3A_108 = arith.constant 0 : i32
        %dma_start3A_109 = tpu.memref_slice %arg8[%run_scoped3A_86, %dma_start3A_107, %dma_start3A_108] : memref<2x128x128xf32, #tpu.memory_space<vmem>> -> memref<1x128x128xf32, #tpu.memory_space<vmem>>
        %dma_start3A_110 = tpu.memref_squeeze %dma_start3A_109 : memref<1x128x128xf32, #tpu.memory_space<vmem>> -> memref<128x128xf32, #tpu.memory_space<vmem>>
        %dma_start3A_111 = arith.constant 0 : i32
        %dma_start3A_112 = tpu.memref_slice %arg7[%mul3A_73, %dma_start3A_111] : memref<40x128xi32, #tpu.memory_space<vmem>> -> memref<1x128xi32, #tpu.memory_space<vmem>>
        %dma_start3A_113 = tpu.memref_squeeze %dma_start3A_112 : memref<1x128xi32, #tpu.memory_space<vmem>> -> memref<128xi32, #tpu.memory_space<vmem>>
        %dma_start3A_114 = arith.constant 0 : i32
        %dma_start3A_115 = arith.constant 0 : i32
        %dma_start3A_116 = tpu.memref_slice %arg9[%dma_start3A_114, %dma_start3A_115] : memref<10240x128xf32, #tpu.memory_space<vmem_shared>> -> memref<10240x128xf32, #tpu.memory_space<vmem_shared>>
        tpu.enqueue_indirect_dma source(%dma_start3A_110 : memref<128x128xf32, #tpu.memory_space<vmem>>) target(%dma_start3A_116 : memref<10240x128xf32, #tpu.memory_space<vmem_shared>>) offsets(%dma_start3A_113 : memref<128xi32, #tpu.memory_space<vmem>>) semaphore(%run_scoped3A_106 : memref<!tpu.dma_semaphore, #tpu.memory_space<semaphore_mem>>) {add = true}
        %dma_wait3A_117 = arith.constant 0 : i32
        %dma_wait3A_118 = arith.constant 0 : i32
        %dma_wait3A_119 = tpu.memref_slice %arg8[%run_scoped3A_86, %dma_wait3A_117, %dma_wait3A_118] : memref<2x128x128xf32, #tpu.memory_space<vmem>> -> memref<1x128x128xf32, #tpu.memory_space<vmem>>
        %dma_wait3A_120 = tpu.memref_squeeze %dma_wait3A_119 : memref<1x128x128xf32, #tpu.memory_space<vmem>> -> memref<128x128xf32, #tpu.memory_space<vmem>>
        %dma_wait3A_121 = arith.constant 0 : i32
        %dma_wait3A_122 = tpu.memref_slice %arg7[%mul3A_73, %dma_wait3A_121] : memref<40x128xi32, #tpu.memory_space<vmem>> -> memref<1x128xi32, #tpu.memory_space<vmem>>
        %dma_wait3A_123 = tpu.memref_squeeze %dma_wait3A_122 : memref<1x128xi32, #tpu.memory_space<vmem>> -> memref<128xi32, #tpu.memory_space<vmem>>
        %dma_wait3A_124 = arith.constant 0 : i32
        %dma_wait3A_125 = arith.constant 0 : i32
        %dma_wait3A_126 = tpu.memref_slice %arg9[%dma_wait3A_124, %dma_wait3A_125] : memref<10240x128xf32, #tpu.memory_space<vmem_shared>> -> memref<10240x128xf32, #tpu.memory_space<vmem_shared>>
        tpu.wait_indirect_dma semaphore(%run_scoped3A_106 : memref<!tpu.dma_semaphore, #tpu.memory_space<semaphore_mem>>) src(%dma_wait3A_120 : memref<128x128xf32, #tpu.memory_space<vmem>>) dst(%dma_wait3A_126 : memref<10240x128xf32, #tpu.memory_space<vmem_shared>>)
        tpu.yield
      }) : () -> ()
      %lt3A = arith.constant 19 : i32
      %lt3A_87 = arith.cmpi slt, %add3A_71, %lt3A : i32
      %convert_element_type3A = arith.extui %lt3A_87 : i1 to i32
      %cond3A = arith.constant 0 : i32
      %cond3A_88 = arith.cmpi ne, %convert_element_type3A, %cond3A : i32
      scf.if %cond3A_88 {
        %add3A_106 = arith.constant 2 : i32
        %add3A_107 = arith.addi %mul3A_73, %add3A_106 : i32
        %dma_start3A_108 = arith.constant 0 : i32
        %dma_start3A_109 = arith.constant 0 : i32
        %dma_start3A_110 = arith.constant 0 : i32
        %dma_start3A_111 = tpu.memref_slice %arg8[%dma_start3A_108, %dma_start3A_109, %dma_start3A_110] : memref<2x128x128xf32, #tpu.memory_space<vmem>> -> memref<1x128x128xf32, #tpu.memory_space<vmem>>
        %dma_start3A_112 = tpu.memref_squeeze %dma_start3A_111 : memref<1x128x128xf32, #tpu.memory_space<vmem>> -> memref<128x128xf32, #tpu.memory_space<vmem>>
        %dma_start3A_113 = arith.constant 0 : i32
        %dma_start3A_114 = tpu.memref_slice %arg6[%add3A_107, %dma_start3A_113] : memref<40x128xi32, #tpu.memory_space<vmem>> -> memref<1x128xi32, #tpu.memory_space<vmem>>
        %dma_start3A_115 = tpu.memref_squeeze %dma_start3A_114 : memref<1x128xi32, #tpu.memory_space<vmem>> -> memref<128xi32, #tpu.memory_space<vmem>>
        %dma_start3A_116 = arith.constant 0 : i32
        %dma_start3A_117 = arith.constant 0 : i32
        %dma_start3A_118 = tpu.memref_slice %arg2[%dma_start3A_116, %dma_start3A_117] : memref<140000x128xf32, #tpu.memory_space<hbm>> -> memref<140000x128xf32, #tpu.memory_space<hbm>>
        tpu.enqueue_indirect_dma source(%dma_start3A_118 : memref<140000x128xf32, #tpu.memory_space<hbm>>) target(%dma_start3A_112 : memref<128x128xf32, #tpu.memory_space<vmem>>) offsets(%dma_start3A_115 : memref<128xi32, #tpu.memory_space<vmem>>) semaphore(%arg10 : memref<!tpu.dma_semaphore, #tpu.memory_space<semaphore_mem>>)
      } else {
      }
      %dma_wait3A_89 = arith.constant 1 : i32
      %dma_wait3A_90 = arith.constant 0 : i32
      %dma_wait3A_91 = arith.constant 0 : i32
      %dma_wait3A_92 = tpu.memref_slice %arg8[%dma_wait3A_89, %dma_wait3A_90, %dma_wait3A_91] : memref<2x128x128xf32, #tpu.memory_space<vmem>> -> memref<1x128x128xf32, #tpu.memory_space<vmem>>
      %dma_wait3A_93 = tpu.memref_squeeze %dma_wait3A_92 : memref<1x128x128xf32, #tpu.memory_space<vmem>> -> memref<128x128xf32, #tpu.memory_space<vmem>>
      %dma_wait3A_94 = arith.constant 0 : i32
      %dma_wait3A_95 = tpu.memref_slice %arg6[%add3A_75, %dma_wait3A_94] : memref<40x128xi32, #tpu.memory_space<vmem>> -> memref<1x128xi32, #tpu.memory_space<vmem>>
      %dma_wait3A_96 = tpu.memref_squeeze %dma_wait3A_95 : memref<1x128xi32, #tpu.memory_space<vmem>> -> memref<128xi32, #tpu.memory_space<vmem>>
      %dma_wait3A_97 = arith.constant 0 : i32
      %dma_wait3A_98 = arith.constant 0 : i32
      %dma_wait3A_99 = tpu.memref_slice %arg2[%dma_wait3A_97, %dma_wait3A_98] : memref<140000x128xf32, #tpu.memory_space<hbm>> -> memref<140000x128xf32, #tpu.memory_space<hbm>>
      tpu.wait_indirect_dma semaphore(%arg11 : memref<!tpu.dma_semaphore, #tpu.memory_space<semaphore_mem>>) src(%dma_wait3A_99 : memref<140000x128xf32, #tpu.memory_space<hbm>>) dst(%dma_wait3A_93 : memref<128x128xf32, #tpu.memory_space<vmem>>)
      %run_scoped3A_100 = arith.constant 1 : i32
      "tpu.region"() ({
        %run_scoped3A_106 = tpu.sem_alloc : memref<!tpu.dma_semaphore, #tpu.memory_space<semaphore_mem>>
        %dma_start3A_107 = arith.constant 0 : i32
        %dma_start3A_108 = arith.constant 0 : i32
        %dma_start3A_109 = tpu.memref_slice %arg8[%run_scoped3A_100, %dma_start3A_107, %dma_start3A_108] : memref<2x128x128xf32, #tpu.memory_space<vmem>> -> memref<1x128x128xf32, #tpu.memory_space<vmem>>
        %dma_start3A_110 = tpu.memref_squeeze %dma_start3A_109 : memref<1x128x128xf32, #tpu.memory_space<vmem>> -> memref<128x128xf32, #tpu.memory_space<vmem>>
        %dma_start3A_111 = arith.constant 0 : i32
        %dma_start3A_112 = tpu.memref_slice %arg7[%add3A_75, %dma_start3A_111] : memref<40x128xi32, #tpu.memory_space<vmem>> -> memref<1x128xi32, #tpu.memory_space<vmem>>
        %dma_start3A_113 = tpu.memref_squeeze %dma_start3A_112 : memref<1x128xi32, #tpu.memory_space<vmem>> -> memref<128xi32, #tpu.memory_space<vmem>>
        %dma_start3A_114 = arith.constant 0 : i32
        %dma_start3A_115 = arith.constant 0 : i32
        %dma_start3A_116 = tpu.memref_slice %arg9[%dma_start3A_114, %dma_start3A_115] : memref<10240x128xf32, #tpu.memory_space<vmem_shared>> -> memref<10240x128xf32, #tpu.memory_space<vmem_shared>>
        tpu.enqueue_indirect_dma source(%dma_start3A_110 : memref<128x128xf32, #tpu.memory_space<vmem>>) target(%dma_start3A_116 : memref<10240x128xf32, #tpu.memory_space<vmem_shared>>) offsets(%dma_start3A_113 : memref<128xi32, #tpu.memory_space<vmem>>) semaphore(%run_scoped3A_106 : memref<!tpu.dma_semaphore, #tpu.memory_space<semaphore_mem>>) {add = true}
        %dma_wait3A_117 = arith.constant 0 : i32
        %dma_wait3A_118 = arith.constant 0 : i32
        %dma_wait3A_119 = tpu.memref_slice %arg8[%run_scoped3A_100, %dma_wait3A_117, %dma_wait3A_118] : memref<2x128x128xf32, #tpu.memory_space<vmem>> -> memref<1x128x128xf32, #tpu.memory_space<vmem>>
        %dma_wait3A_120 = tpu.memref_squeeze %dma_wait3A_119 : memref<1x128x128xf32, #tpu.memory_space<vmem>> -> memref<128x128xf32, #tpu.memory_space<vmem>>
        %dma_wait3A_121 = arith.constant 0 : i32
        %dma_wait3A_122 = tpu.memref_slice %arg7[%add3A_75, %dma_wait3A_121] : memref<40x128xi32, #tpu.memory_space<vmem>> -> memref<1x128xi32, #tpu.memory_space<vmem>>
        %dma_wait3A_123 = tpu.memref_squeeze %dma_wait3A_122 : memref<1x128xi32, #tpu.memory_space<vmem>> -> memref<128xi32, #tpu.memory_space<vmem>>
        %dma_wait3A_124 = arith.constant 0 : i32
        %dma_wait3A_125 = arith.constant 0 : i32
        %dma_wait3A_126 = tpu.memref_slice %arg9[%dma_wait3A_124, %dma_wait3A_125] : memref<10240x128xf32, #tpu.memory_space<vmem_shared>> -> memref<10240x128xf32, #tpu.memory_space<vmem_shared>>
        tpu.wait_indirect_dma semaphore(%run_scoped3A_106 : memref<!tpu.dma_semaphore, #tpu.memory_space<semaphore_mem>>) src(%dma_wait3A_120 : memref<128x128xf32, #tpu.memory_space<vmem>>) dst(%dma_wait3A_126 : memref<10240x128xf32, #tpu.memory_space<vmem_shared>>)
        tpu.yield
      }) : () -> ()
      %lt3A_101 = arith.constant 19 : i32
      %lt3A_102 = arith.cmpi slt, %add3A_71, %lt3A_101 : i32
      %convert_element_type3A_103 = arith.extui %lt3A_102 : i1 to i32
      %cond3A_104 = arith.constant 0 : i32
      %cond3A_105 = arith.cmpi ne, %convert_element_type3A_103, %cond3A_104 : i32
      scf.if %cond3A_105 {
        %add3A_106 = arith.constant 2 : i32
        %add3A_107 = arith.addi %add3A_75, %add3A_106 : i32
        %dma_start3A_108 = arith.constant 1 : i32
        %dma_start3A_109 = arith.constant 0 : i32
        %dma_start3A_110 = arith.constant 0 : i32
        %dma_start3A_111 = tpu.memref_slice %arg8[%dma_start3A_108, %dma_start3A_109, %dma_start3A_110] : memref<2x128x128xf32, #tpu.memory_space<vmem>> -> memref<1x128x128xf32, #tpu.memory_space<vmem>>
        %dma_start3A_112 = tpu.memref_squeeze %dma_start3A_111 : memref<1x128x128xf32, #tpu.memory_space<vmem>> -> memref<128x128xf32, #tpu.memory_space<vmem>>
        %dma_start3A_113 = arith.constant 0 : i32
        %dma_start3A_114 = tpu.memref_slice %arg6[%add3A_107, %dma_start3A_113] : memref<40x128xi32, #tpu.memory_space<vmem>> -> memref<1x128xi32, #tpu.memory_space<vmem>>
        %dma_start3A_115 = tpu.memref_squeeze %dma_start3A_114 : memref<1x128xi32, #tpu.memory_space<vmem>> -> memref<128xi32, #tpu.memory_space<vmem>>
        %dma_start3A_116 = arith.constant 0 : i32
        %dma_start3A_117 = arith.constant 0 : i32
        %dma_start3A_118 = tpu.memref_slice %arg2[%dma_start3A_116, %dma_start3A_117] : memref<140000x128xf32, #tpu.memory_space<hbm>> -> memref<140000x128xf32, #tpu.memory_space<hbm>>
        tpu.enqueue_indirect_dma source(%dma_start3A_118 : memref<140000x128xf32, #tpu.memory_space<hbm>>) target(%dma_start3A_112 : memref<128x128xf32, #tpu.memory_space<vmem>>) offsets(%dma_start3A_115 : memref<128xi32, #tpu.memory_space<vmem>>) semaphore(%arg11 : memref<!tpu.dma_semaphore, #tpu.memory_space<semaphore_mem>>)
      } else {
      }
    }
    %scan3A_61 = arith.constant 20 : i32
    %barrier3A_62 = arith.constant 0 : index
    tpu.barrier barrier_id(%barrier3A_62)
    %mul3A_63 = arith.constant 640 : i32
    %mul3A_64 = arith.muli %arg1, %mul3A_63 : i32
    %mul3A_65 = arith.constant 640 : i32
    %mul3A_66 = arith.muli %arg1, %mul3A_65 : i32
    "tpu.region"() ({
      %run_scoped3A_67 = tpu.sem_alloc : memref<!tpu.dma_semaphore, #tpu.memory_space<semaphore_mem>>
      %dma_start3A_68 = arith.constant 0 : i32
      %dma_start3A_69 = tpu.memref_slice %arg5[%arg0, %mul3A_66, %dma_start3A_68] : memref<2x10240x128xf32, #tpu.memory_space<hbm>> -> memref<1x640x128xf32, #tpu.memory_space<hbm>>
      %dma_start3A_70 = tpu.memref_squeeze %dma_start3A_69 : memref<1x640x128xf32, #tpu.memory_space<hbm>> -> memref<640x128xf32, #tpu.memory_space<hbm>>
      %dma_start3A_71 = arith.constant 0 : i32
      %dma_start3A_72 = tpu.memref_slice %arg9[%mul3A_64, %dma_start3A_71] : memref<10240x128xf32, #tpu.memory_space<vmem_shared>> -> memref<640x128xf32, #tpu.memory_space<vmem_shared>>
      tpu.enqueue_dma source(%dma_start3A_72 : memref<640x128xf32, #tpu.memory_space<vmem_shared>>) target(%dma_start3A_70 : memref<640x128xf32, #tpu.memory_space<hbm>>) target_semaphore(%run_scoped3A_67 : memref<!tpu.dma_semaphore, #tpu.memory_space<semaphore_mem>>)
      %dma_wait3A = arith.constant 0 : i32
      %dma_wait3A_73 = tpu.memref_slice %arg5[%arg0, %mul3A_66, %dma_wait3A] : memref<2x10240x128xf32, #tpu.memory_space<hbm>> -> memref<1x640x128xf32, #tpu.memory_space<hbm>>
      %dma_wait3A_74 = tpu.memref_squeeze %dma_wait3A_73 : memref<1x640x128xf32, #tpu.memory_space<hbm>> -> memref<640x128xf32, #tpu.memory_space<hbm>>
      %dma_wait3A_75 = arith.constant 0 : i32
      %dma_wait3A_76 = tpu.memref_slice %arg9[%mul3A_64, %dma_wait3A_75] : memref<10240x128xf32, #tpu.memory_space<vmem_shared>> -> memref<640x128xf32, #tpu.memory_space<vmem_shared>>
      tpu.wait_dma2 semaphore(%run_scoped3A_67 : memref<!tpu.dma_semaphore, #tpu.memory_space<semaphore_mem>>) src(%dma_wait3A_76 : memref<640x128xf32, #tpu.memory_space<vmem_shared>>) dst(%dma_wait3A_74 : memref<640x128xf32, #tpu.memory_space<hbm>>)
      tpu.yield
    }) : () -> ()
    return
  }
}

module attributes {stable_mosaic.version = 14 : i64} {
  func.func @_matmul_body(%arg0: i32, %arg1: i32, %arg2: memref<2000x128xf32, #tpu.memory_space<vmem>>, %arg3: memref<1x128x128xf32, #tpu.memory_space<vmem>>, %arg4: memref<1x2000x128xf32, #tpu.memory_space<vmem>>) attributes {dimension_semantics = [#tpu.dimension_semantics<arbitrary>, #tpu.dimension_semantics<arbitrary>], iteration_bounds = array<i64: 5, 14>, scalar_prefetch = 0 : i64, scratch_operands = 0 : i64, tpu.core_type = #tpu.core_type<tc>, window_params = [{transform_indices = @transform_0, window_bounds = array<i64: 2000, 128>}, {transform_indices = @transform_1, window_bounds = array<i64: 1, 128, 128>}, {transform_indices = @transform_2, window_bounds = array<i64: 1, 2000, 128>}]} {
    %get3A = arith.constant 0 : index
    %get3A_0 = arith.constant 0 : index
    %get3A_1 = vector.load %arg2[%get3A, %get3A_0] : memref<2000x128xf32, #tpu.memory_space<vmem>>, vector<2000x128xf32>
    %get3A_2 = arith.constant 0 : index
    %get3A_3 = arith.constant 0 : index
    %get3A_4 = arith.constant 0 : index
    %get3A_5 = vector.load %arg3[%get3A_2, %get3A_3, %get3A_4] : memref<1x128x128xf32, #tpu.memory_space<vmem>>, vector<1x128x128xf32>
    %get3A_6 = vector.shape_cast %get3A_5 : vector<1x128x128xf32> to vector<128x128xf32>
    %dot_general3A = arith.constant dense<0.000000e+00> : vector<2000x128xf32>
    %dot_general3A_7 = tpu.matmul %get3A_1, %get3A_6, %dot_general3A {dimension_numbers = #tpu.dot_dimension_numbers<[1], [0], [0], [1], [0, 0, 1, 1], [], []>, transpose_lhs_hint = false} : vector<2000x128xf32>, vector<128x128xf32>, vector<2000x128xf32> -> vector<2000x128xf32>
    %swap3A = arith.constant 0 : index
    %swap3A_8 = arith.constant 0 : index
    %swap3A_9 = arith.constant 0 : index
    %swap3A_10 = vector.load %arg4[%swap3A, %swap3A_8, %swap3A_9] : memref<1x2000x128xf32, #tpu.memory_space<vmem>>, vector<1x2000x128xf32>
    %swap3A_11 = vector.shape_cast %swap3A_10 : vector<1x2000x128xf32> to vector<2000x128xf32>
    %swap3A_12 = vector.shape_cast %dot_general3A_7 : vector<2000x128xf32> to vector<1x2000x128xf32>
    tpu.vector_store %arg4[%swap3A, %swap3A_8, %swap3A_9], %swap3A_12 {strides = array<i32>} : memref<1x2000x128xf32, #tpu.memory_space<vmem>>, vector<1x2000x128xf32>,
    return
  }
  func.func @transform_0(%arg0: i32, %arg1: i32) -> (i32, i32) {
    %c0_i32 = arith.constant 0 : i32
    %c0_i32_0 = arith.constant 0 : i32
    return %arg0, %c0_i32 : i32, i32
  }
  func.func @transform_1(%arg0: i32, %arg1: i32) -> (i32, i32, i32) {
    %c0_i32 = arith.constant 0 : i32
    %c0_i32_0 = arith.constant 0 : i32
    %c0_i32_1 = arith.constant 0 : i32
    return %arg1, %c0_i32, %c0_i32_0 : i32, i32, i32
  }
  func.func @transform_2(%arg0: i32, %arg1: i32) -> (i32, i32, i32) {
    %c0_i32 = arith.constant 0 : i32
    %c0_i32_0 = arith.constant 0 : i32
    return %arg1, %arg0, %c0_i32 : i32, i32, i32
  }
}

module attributes {stable_mosaic.version = 14 : i64} {
  func.func @_combine_pair_body(%arg0: i32, %arg1: memref<2x1000x128xf32, #tpu.memory_space<vmem>>, %arg2: memref<1x128xf32, #tpu.memory_space<vmem>>, %arg3: memref<1000x128xf32, #tpu.memory_space<vmem>>) attributes {dimension_semantics = [#tpu.dimension_semantics<arbitrary>], iteration_bounds = array<i64: 10>, scalar_prefetch = 0 : i64, scratch_operands = 0 : i64, tpu.core_type = #tpu.core_type<tc>, window_params = [{transform_indices = @transform_0, window_bounds = array<i64: 2, 1000, 128>}, {pipeline_mode = #tpu.pipeline_mode<synchronous>, transform_indices = @transform_1, window_bounds = array<i64: 1, 128>}, {transform_indices = @transform_2, window_bounds = array<i64: 1000, 128>}]} {
    %get3A = arith.constant 0 : index
    %get3A_0 = arith.constant 0 : index
    %get3A_1 = arith.constant 0 : index
    %get3A_2 = vector.load %arg1[%get3A, %get3A_0, %get3A_1] : memref<2x1000x128xf32, #tpu.memory_space<vmem>>, vector<1x1000x128xf32>
    %get3A_3 = vector.shape_cast %get3A_2 : vector<1x1000x128xf32> to vector<1000x128xf32>
    %get3A_4 = arith.constant 1 : index
    %get3A_5 = arith.constant 0 : index
    %get3A_6 = arith.constant 0 : index
    %get3A_7 = vector.load %arg1[%get3A_4, %get3A_5, %get3A_6] : memref<2x1000x128xf32, #tpu.memory_space<vmem>>, vector<1x1000x128xf32>
    %get3A_8 = vector.shape_cast %get3A_7 : vector<1x1000x128xf32> to vector<1000x128xf32>
    %add3A = arith.addf %get3A_3, %get3A_8 : vector<1000x128xf32>
    %get3A_9 = arith.constant 0 : index
    %get3A_10 = arith.constant 0 : index
    %get3A_11 = vector.load %arg2[%get3A_9, %get3A_10] : memref<1x128xf32, #tpu.memory_space<vmem>>, vector<1x128xf32>
    %add3A_12 = vector.broadcast %get3A_11 : vector<1x128xf32> to vector<1000x128xf32>
    %add3A_13 = arith.addf %add3A, %add3A_12 : vector<1000x128xf32>
    %swap3A = arith.constant 0 : index
    %swap3A_14 = arith.constant 0 : index
    %swap3A_15 = vector.load %arg3[%swap3A, %swap3A_14] : memref<1000x128xf32, #tpu.memory_space<vmem>>, vector<1000x128xf32>
    tpu.vector_store %arg3[%swap3A, %swap3A_14], %add3A_13 {strides = array<i32>} : memref<1000x128xf32, #tpu.memory_space<vmem>>, vector<1000x128xf32>,
    return
  }
  func.func @transform_0(%arg0: i32) -> (i32, i32, i32) {
    %c0_i32 = arith.constant 0 : i32
    %c0_i32_0 = arith.constant 0 : i32
    %c0_i32_1 = arith.constant 0 : i32
    return %c0_i32, %arg0, %c0_i32_0 : i32, i32, i32
  }
  func.func @transform_1(%arg0: i32) -> (i32, i32) {
    %c0_i32 = arith.constant 0 : i32
    %c0_i32_0 = arith.constant 0 : i32
    %c0_i32_1 = arith.constant 0 : i32
    return %c0_i32, %c0_i32_0 : i32, i32
  }
  func.func @transform_2(%arg0: i32) -> (i32, i32) {
    %c0_i32 = arith.constant 0 : i32
    %c0_i32_0 = arith.constant 0 : i32
    return %arg0, %c0_i32 : i32, i32
  }
}

module attributes {stable_mosaic.version = 14 : i64} {
  func.func @_combine_final_body(%arg0: i32, %arg1: memref<1000x128xf32, #tpu.memory_space<vmem>>, %arg2: memref<2x1000x128xf32, #tpu.memory_space<vmem>>, %arg3: memref<1000x128xf32, #tpu.memory_space<vmem>>) attributes {dimension_semantics = [#tpu.dimension_semantics<arbitrary>], iteration_bounds = array<i64: 10>, scalar_prefetch = 0 : i64, scratch_operands = 0 : i64, tpu.core_type = #tpu.core_type<tc>, window_params = [{transform_indices = @transform_0, window_bounds = array<i64: 1000, 128>}, {transform_indices = @transform_1, window_bounds = array<i64: 2, 1000, 128>}, {transform_indices = @transform_2, window_bounds = array<i64: 1000, 128>}]} {
    %get3A = arith.constant 0 : index
    %get3A_0 = arith.constant 0 : index
    %get3A_1 = vector.load %arg1[%get3A, %get3A_0] : memref<1000x128xf32, #tpu.memory_space<vmem>>, vector<1000x128xf32>
    %get3A_2 = arith.constant 0 : index
    %get3A_3 = arith.constant 0 : index
    %get3A_4 = arith.constant 0 : index
    %get3A_5 = vector.load %arg2[%get3A_2, %get3A_3, %get3A_4] : memref<2x1000x128xf32, #tpu.memory_space<vmem>>, vector<1x1000x128xf32>
    %get3A_6 = vector.shape_cast %get3A_5 : vector<1x1000x128xf32> to vector<1000x128xf32>
    %add3A = arith.addf %get3A_1, %get3A_6 : vector<1000x128xf32>
    %get3A_7 = arith.constant 1 : index
    %get3A_8 = arith.constant 0 : index
    %get3A_9 = arith.constant 0 : index
    %get3A_10 = vector.load %arg2[%get3A_7, %get3A_8, %get3A_9] : memref<2x1000x128xf32, #tpu.memory_space<vmem>>, vector<1x1000x128xf32>
    %get3A_11 = vector.shape_cast %get3A_10 : vector<1x1000x128xf32> to vector<1000x128xf32>
    %add3A_12 = arith.addf %add3A, %get3A_11 : vector<1000x128xf32>
    %swap3A = arith.constant 0 : index
    %swap3A_13 = arith.constant 0 : index
    %swap3A_14 = vector.load %arg3[%swap3A, %swap3A_13] : memref<1000x128xf32, #tpu.memory_space<vmem>>, vector<1000x128xf32>
    tpu.vector_store %arg3[%swap3A, %swap3A_13], %add3A_12 {strides = array<i32>} : memref<1000x128xf32, #tpu.memory_space<vmem>>, vector<1000x128xf32>,
    return
  }
  func.func @transform_0(%arg0: i32) -> (i32, i32) {
    %c0_i32 = arith.constant 0 : i32
    %c0_i32_0 = arith.constant 0 : i32
    return %arg0, %c0_i32 : i32, i32
  }
  func.func @transform_1(%arg0: i32) -> (i32, i32, i32) {
    %c0_i32 = arith.constant 0 : i32
    %c0_i32_0 = arith.constant 0 : i32
    %c0_i32_1 = arith.constant 0 : i32
    return %c0_i32, %arg0, %c0_i32_0 : i32, i32, i32
  }
  func.func @transform_2(%arg0: i32) -> (i32, i32) {
    %c0_i32 = arith.constant 0 : i32
    %c0_i32_0 = arith.constant 0 : i32
    return %arg0, %c0_i32 : i32, i32
  }
}

</mosaic_0001>

<sc_bundles>
// kernel: kernel.12.cloned.1.call-start
scs
__scs_entry_jumppad:
0x0: {  	(pc) =	sbr.rel $0x88, $3  }
0x1: {  	(tag) =	ssettag $0x0;
	lr =	simm.s32 $0x1  }
0x2: {  	[smem:$0x3F9C] =	sst lr;
	_ =	strace $0xD0000000  }
0x3: {  	_ = 	snop  }
0x4: {  	_ = 	snop  }
0x5: {  	_ = 	snop  }
0x6: {  	_ = 	snop  }
0x7: {  	_ = 	snop  }
__scs_overlays_trampoline_lowered:
0x8: {  	[smem:$0x3FAB] =	sst s0  }
0x9: {  	[smem:$0x3FAC] =	sst s1  }
0xa: {  	[smem:$0x3FAD] =	sst s2  }
0xb: {  	[smem:$0x3FAE] =	sst s3  }
0xc: {  	[smem:$0x3FAF] =	sst s4  }
0xd: {  	[smem:$0x3FB0] =	sst s5  }
0xe: {  	[smem:$0x3FB1] =	sst s6  }
0xf: {  	[smem:$0x3FB2] =	sst s7  }
0x10: {  	[smem:$0x3FB3] =	sst s8  }
0x11: {  	[smem:$0x3FB4] =	sst s9;
	s0 =	simm.s32 @!p0 $0x0  }
0x12: {  	s1 =	sld [smem:$0x3F9A];
	s0 =	simm.s32 @p0 $0x1  }
0x13: {  	[smem:$0x3FB5] =	sst s0;
	s0 =	simm.s32 @!p1 $0x0  }
0x14: {  	s2 =	sld [smem:$0x3F99];
	s0 =	simm.s32 @p1 $0x1  }
0x15: {  	[smem:$0x3FB6] =	sst s0;
	s0 =	simm.s32 @!p2 $0x0  }
0x16: {  	s3 =	sld [smem:$0x3FDB];
	s0 =	simm.s32 @p2 $0x1  }
0x17: {  	s4 =	simm.s32 $0x1BF5;
	[smem:$0x3FB8] =	sst s0  }
0x18: {  	s0 =	sld [smem:$0x3F9B];
	_ =	swait.ge [sflag:s4], $0x0  }
0x19: {  	s7 =	sld [smem:$0x3F9C]  }
0x1a: {  	s8 =	sadd.s32 $0xFFFFE003, lr  }
0x1b: {  	s9 =	sadd.s32 $0xFFFFFEF7, lr;
	s5 =	simm.s32 $0xFFFFFFFF;
	p2 =	slt.u32 s8, $0xFFFFF086  }
0x1c: {  	p1 =	slt.u32 s9, $0xF7A;
	s5 =	simm.s32 @!p2 $0x0  }
0x1d: {  	s5 =	simm.s32 @p1 $0x1;
	p0 =	seq.s32 s7, s2  }
0x1e: {  	s7 =	smul.u32 @!p0 $0xF7A, s2;
	p2 =	seq.s32 @!p0 s5, $0x0  }
0x1f: {  	s9 =	smul.u32 $0xF7A, s1;
	s8 =	simm.s32 @!p0 $0x1BF5;
	p2 =	por !p2, p0  }
0x20: {  	[sflag:s8] =	ssyncset.s32 @!p0 $0xFFFFF086;
	s6 =	sadd.s32 @!p0 s3, s7;
	s7 =	simm.s32 @!p0 $0x108  }
0x21: {  	s3 =	sadd.s32 s3, s9;
	s6 =	sadd.s32 @!p0 $0x88, s6;
	s7 =	simm.s32 @p2 $0x1082  }
0x22: {  	[simem:s7], [sflag:s8] =	dma.local @!p0 [hbm:s6], $0xF7A  }
0x23: {  	s9 =	sor.u32 $0xD0000000, s2;
	s6 =	simm.s32 $0x108;
	_ =	swait.ge @!p0 [sflag:s8], $0x0  }
0x24: {  	s3 =	sadd.s32 $0x88, s3;
	s6 =	simm.s32 @!p1 $0x1082;
	[sflag:s4] =	ssyncset.s32 $0xFFFFF086  }
0x25: {  	[simem:s6], [sflag:s4] =	dma.local [hbm:s3], $0xF7A  }
0x26: {  	[smem:$0x3F9C] =	sst s1;
	(tag) =	ssettag s2;
	_ =	strace s9  }
0x27: {  	s1 =	sld [smem:$0x3FAC]  }
0x28: {  	s2 =	sld [smem:$0x3FAD]  }
0x29: {  	s4 =	sld [smem:$0x3FAF]  }
0x2a: {  	p0 =	seq.s32 s5, $0x0;
	s5 =	sld [smem:$0x3FB0]  }
0x2b: {  	s6 =	sld [smem:$0x3FB1]  }
0x2c: {  	s7 =	sld [smem:$0x3FB2]  }
0x2d: {  	s3 =	simm.s32 $0x108;
	s8 =	sld [smem:$0x3FB3]  }
0x2e: {  	s3 =	simm.s32 @!p0 $0x1082;
	s9 =	sld [smem:$0x3FB4]  }
0x2f: {  	lr =	sadd.s32 s0, s3;
	s0 =	sld [smem:$0x3FAB]  }
0x30: {  	s3 =	sld [smem:$0x3FAE]  }
0x31: {  	[smem:$0x3FB7] =	sst s10  }
0x32: {  	s10 =	sld [smem:$0x3FB5];
	_ =	sdelay $0x3  }
0x33: {  	p0 =	seq.s32 s10, $0x1;
	s10 =	sld [smem:$0x3FB7];
	_ =	sdelay $0x3  }
0x34: {  	[smem:$0x3FB7] =	sst s10  }
0x35: {  	s10 =	sld [smem:$0x3FB6];
	_ =	sdelay $0x3  }
0x36: {  	p1 =	seq.s32 s10, $0x1;
	s10 =	sld [smem:$0x3FB7];
	_ =	sdelay $0x3  }
0x37: {  	[smem:$0x3FB7] =	sst s10  }
0x38: {  	s10 =	sld [smem:$0x3FB8]  }
0x39: {  	_ = 	snop;
	(pc) =	sbr.ind lr, $3  }
0x3a: {  	_ = 	snop  }
0x3b: {  	_ = 	snop  }
0x3c: {  	p2 =	seq.s32 s10, $0x1;
	s10 =	sld [smem:$0x3FB7]  }
0x3d: {  	_ =	shalt  }
0x3e: {  	_ =	shalt  }
0x3f: {  	_ =	shalt  }
0x40: {  	_ =	shalt  }
0x41: {  	_ =	shalt  }
0x42: {  	_ =	shalt  }
0x43: {  	_ =	shalt  }
0x44: {  	_ =	shalt  }
0x45: {  	_ =	shalt  }
0x46: {  	_ =	shalt  }
0x47: {  	_ =	shalt  }
0x48: {  	_ =	shalt  }
0x49: {  	_ =	shalt  }
0x4a: {  	_ =	shalt  }
0x4b: {  	_ =	shalt  }
0x4c: {  	_ =	shalt  }
0x4d: {  	_ =	shalt  }
0x4e: {  	_ =	shalt  }
0x4f: {  	_ =	shalt  }
0x50: {  	_ =	shalt  }
0x51: {  	_ =	shalt  }
0x52: {  	_ =	shalt  }
0x53: {  	_ =	shalt  }
0x54: {  	_ =	shalt  }
0x55: {  	_ =	shalt  }
0x56: {  	_ =	shalt  }
0x57: {  	_ =	shalt  }
0x58: {  	_ =	shalt  }
0x59: {  	_ =	shalt  }
0x5a: {  	_ =	shalt  }
0x5b: {  	_ =	shalt  }
0x5c: {  	_ =	shalt  }
0x5d: {  	_ =	shalt  }
0x5e: {  	_ =	shalt  }
0x5f: {  	_ =	shalt  }
0x60: {  	_ =	shalt  }
0x61: {  	_ =	shalt  }
0x62: {  	_ =	shalt  }
0x63: {  	_ =	shalt  }
0x64: {  	_ =	shalt  }
0x65: {  	_ =	shalt  }
0x66: {  	_ =	shalt  }
0x67: {  	_ =	shalt  }
0x68: {  	_ =	shalt  }
0x69: {  	_ =	shalt  }
0x6a: {  	_ =	shalt  }
0x6b: {  	_ =	shalt  }
0x6c: {  	_ =	shalt  }
0x6d: {  	_ =	shalt  }
0x6e: {  	_ =	shalt  }
0x6f: {  	_ =	shalt  }
0x70: {  	_ =	shalt  }
0x71: {  	_ =	shalt  }
0x72: {  	_ =	shalt  }
0x73: {  	_ =	shalt  }
0x74: {  	_ =	shalt  }
0x75: {  	_ =	shalt  }
0x76: {  	_ =	shalt  }
0x77: {  	_ =	shalt  }
0x78: {  	_ =	shalt  }
0x79: {  	_ =	shalt  }
0x7a: {  	_ =	shalt  }
0x7b: {  	_ =	shalt  }
0x7c: {  	_ =	shalt  }
0x7d: {  	_ =	shalt  }
0x7e: {  	_ =	shalt  }
0x7f: {  	_ =	shalt  }
0x80: {  	_ =	shalt  }
0x81: {  	_ =	shalt  }
0x82: {  	_ =	shalt  }
0x83: {  	_ =	shalt  }
0x84: {  	_ =	shalt  }
0x85: {  	_ =	shalt  }
0x86: {  	_ =	shalt  }
0x87: {  	_ =	shalt  }
.Lfunc_end0:
.L_simem_size_0:
called_computation.1_lowered:
.L_overlay_start_0:
0x88: {  	s2 =	sld [smem:$0x3FD9]  }
0x89: {  	s3 =	sld [smem:$0x3FFE];
	_ =	sdelay $0x1  }
0x8a: {  	s1 =	srdreg.scid  }
0x8b: {  	s0 =	sand.u32 $0x1, s1  }
0x8c: {  	s17 =	sshll.u32 s0, $0xA;
	s2 =	sadd.s32 s3, s2  }
0x8d: {  	s2 =	sadd.s32 s2, s17  }
0x8e: {  	[smem:$0x3FC3] =	sst s2  }
0x8f: {  	_ = 	snop  }
0x90: {  	(tm) =	ssettm $0x1  }
0x91: {  	s18 =	sld [smem:$0x3FFB];
	_ =	sdelay $0x3  }
0x92: {  	_ =	strace s18  }
0x93: {  	s2 =	sld [smem:$0x3FFC];
	_ =	sdelay $0x3  }
0x94: {  	_ =	strace s2  }
0x95: {  	s2 =	sld [smem:$0x3FFD];
	_ =	sdelay $0x3  }
0x96: {  	_ =	strace s2  }
0x97: {  	_ =	strace $0x8FFFFFFF  }
0x98: {  	s19 =	sld [smem:$0x3FDB];
	_ =	sdelay $0x1  }
0x99: {  	s20 =	simm.s32 $_scs_section_size  }
0x9a: {  	s4 =	simm.s32 $_size__tile_overlayer_lowered;
	s5 =	simm.s32 $_tile_overlayer_lowered  }
0x9b: {  	s6 =	simm.s32 $0x1BFF;
	s21 =	sshll.u32 s5, $0x1;
	s3 =	sadd.s32 s20, s19  }
0x9c: {  	s22 =	simm.s32 $0x0;
	s4 =	sshll.u32 s4, $0x1;
	s5 =	sadd.s32 s21, s3  }
0x9d: {  	[timem:s22], [sflag:s6] =	dma.local [hbm:s5], s4  }
0x9e: {  	_ =	swait.ge [sflag:s6], s4  }
0x9f: {  	s4 =	ssub.s32 $0x0, s4;
	[sflag:s6] =	ssyncset.done $0x0  }
0xa0: {  	[sflag:s6] =	ssyncadd.s32 s4;
	_ =	sdelay $0x1  }
0xa1: {  	s23 =	simm.s32 $0x1B8B  }
0xa2: {  	_ =	swait.ge [sflag:s23], $0x1  }
0xa3: {  	[sflag:s23] =	ssyncset.done $0x0  }
0xa4: {  	[sflag:s23] =	ssyncadd.s32 $0xFFFFFFFF  }
0xa5: {  	s4 =	sld [smem:$0x0]  }
0xa6: {  	s5 =	sand.u32 $0xFFFFFFFE, s1  }
0xa7: {  	p0 =	sne.s32 s1, s5  }
0xa8: {  	s5 =	sshll.u32 @p0 s5, $0xE  }
0xa9: {  	s5 =	sadd.s32 @p0 $0x11B8D, s5;
	s6 =	sshll.u32 @p0 s4, $0x11  }
0xaa: {  	s5 =	sor.u32 @p0 s6, s5  }
0xab: {  	[sflag:s5] =	ssyncadd.remote.s32 @p0 $0x1;
	_ =	sdelay $0x1  }
0xac: {  	s5 =	simm.s32 @p0 $0x1B8D  }
0xad: {  	_ =	swait.eq @p0 [sflag:s5], $0x1  }
0xae: {  	[sflag:s5] =	ssyncadd.s32 @p0 $0xFFFFFFFF  }
0xaf: {  	s6 =	sshll.u32 @!p0 s1, $0xE  }
0xb0: {  	s6 =	sor.u32 @!p0 $0x4000, s6;
	s5 =	simm.s32 @!p0 $0x1B8D  }
0xb1: {  	s4 =	sshll.u32 @!p0 s4, $0x11;
	s6 =	sadd.s32 @!p0 $0x11B8D, s6;
	_ =	swait.eq @!p0 [sflag:s5], $0x1  }
0xb2: {  	s4 =	sor.u32 @!p0 s4, s6;
	[sflag:s5] =	ssyncadd.s32 @!p0 $0xFFFFFFFF  }
0xb3: {  	s25 =	simm.s32 $0x1B8E;
	s24 =	sld [smem:$0x3FFE];
	[sflag:s4] =	ssyncadd.remote.s32 @!p0 $0x1  }
0xb4: {  	s26 =	simm.s32 $execute0_lowered;
	[smem:$0x3FD2] =	sst s25  }
0xb5: {  	s5 =	sshll.u32 s26, $0x1;
	_ =	strace $0x80000049;
	[dreg:$0x1] =	wrdreg $0xFFFFFFFF  }
0xb6: {  	s28 =	simm.s32 $_size_execute0_lowered;
	s3 =	sadd.s32 s3, s5;
	[dreg:$0x0] =	wrdreg $0x0  }
0xb7: {  	s5 =	sshll.u32 s28, $0x1;
	[dreg:$0x2] =	wrdreg s3  }
0xb8: {  	[dreg:$0x3] =	wrdreg s5  }
0xb9: {  	[dreg:$0x4] =	wrdreg $0xC0  }
0xba: {  	_ =	task [dreg:s22], $0x5FFFF  }
0xbb: {  	[dreg:$0x1] =	wrdreg $0xFFFFFFFF  }
0xbc: {  	[dreg:$0x0] =	wrdreg $0x60  }
0xbd: {  	[dreg:$0x2] =	wrdreg s24  }
0xbe: {  	[dreg:$0x3] =	wrdreg $0xA8000  }
0xbf: {  	[dreg:$0x4] =	wrdreg $0xA  }
0xc0: {  	_ =	task.clear_ibuf [dreg:s22], $0x5FFFF;
	_ =	strace $0x90000049  }
0xc1: {  	s29 =	simm.s32 $0xA;
	_ =	strace $0x8000004B  }
0xc2: {  	_ =	swait.ge [sflag:s29], $0x1  }
0xc3: {  	[sflag:s29] =	ssyncadd.s32 $0xFFFFFFFF  }
0xc4: {  	_ =	strace $0x9000004B  }
0xc5: {  	_ =	sfence  }
0xc6: {  	s30 =	sld [smem:$0x0];
	_ =	sdelay $0x2  }
0xc7: {  	s31 =	sshll.u32 s1, $0xD;
	s1 =	sshrl.u32 s1, $0x2  }
0xc8: {  	s4 =	sand.u32 $0x4000, s31;
	s1 =	sadd.s32 s1, s30  }
0xc9: {  	s0 =	sor.u32 s4, s0;
	s1 =	sshll.u32 s1, $0x11  }
0xca: {  	s0 =	sor.u32 s1, s0  }
0xcb: {  	s0 =	sadd.s32 $0x8F2B, s0  }
0xcc: {  	[sflag:s0] =	ssyncadd.remote.s32 $0x1  }
0xcd: {  	_ =	sfence.sel $0xFFFF  }
0xce: {  	[dreg:$0x0] =	wrdreg $0xFFFFFFFF;
	(pc) =	sbr.abs _section_cstart, $3  }
0xcf: {  	[dreg:$0x1] =	wrdreg $0xFFFFFFFF  }
0xd0: {  	_ =	task.clear_ibuf [dreg:s22], $0x2FFFF;
	_ =	strace $0x9FFFFFFF  }
0xd1: {  	(tm) =	ssettm $0x7FFFFFFF  }
tec
execute0_lowered:
.L_overlay_start_1:
0x0: {  	(tag) =	ssettag $0x1  }
0x1: {  	s5 =	rddreg [dreg:$0x0]  }
0x2: {  	s2 =	rddreg [dreg:$0x1]  }
0x3: {  	s1 =	srdreg.scid;
	s0 =	rddreg [dreg:$0x2]  }
0x4: {  	s3 =	simm.s32 $0x0;
	s14 =	simm.s32 $0x3;
	s15 =	simm.s32 $0x1400  }
0x5: {  	s16 =	simm.s32 $0x80;
	s17 =	simm.s32 $0x6800;
	s18 =	simm.s32 $0x2800  }
0x6: {  	s19 =	simm.s32 $0x1;
	s20 =	simm.s32 $0x2;
	s21 =	simm.s32 $0x2700  }
0x7: {  	s22 =	simm.s32 $0x2780;
	s6 =	sand.u32 $0x1, s1;
	s1 =	stileid.u32  }
0x8: {  	s25 =	simm.s32 $0x0;
	[smem:$0x7FF] =	sst s3;
	s7 =	smul.u32 $0x140000, s6  }
0x9: {  	s4 =	sshll.u32 s6, $0x4;
	s8 =	smul.u32 $0x14000, s1;
	_ =	strace $0x8000004A  }
0xa: {  	s28 =	smul.u32 $0x50000, s1;
	s29 =	ssub.s32 $0x2, s6;
	s23 =	sshll.u32 s1, $0x6  }
0xb: {  	s4 =	sor.u32 s1, s4;
	s31 =	sshrl.u32 s29, $0x1;
	s23 =	sor.u32 $0x1C03, s23  }
0xc: {  	s9 =	smul.u32 $0x280, s4;
	s7 =	sadd.s32 s8, s7;
	s4 =	sadd.s32 $0x279C00, s5  }
0xd: {  	s30 =	sshrl.u32 s28, $0x2;
	s13 =	ssub.s32 s29, s31;
	s7 =	sshrl.u32 s7, $0x3  }
0xe: {  	s6 =	sadd.s32 s30, s2;
	s13 =	smax.u32 s13, $0x1;
	s9 =	sadd.s32 s9, s5  }
0xf: {  	s8 =	sadd.s32 $0x4000, s6;
	s10 =	sadd.s32 $0xC000, s6;
	s11 =	sadd.s32 $0x10000, s6  }
0x10: {  	s12 =	sadd.s32 s7, s5;
	s5 =	sadd.s32 $0x4A1A00, s9;
	s7 =	sadd.s32 $0x49CA00, s9  }
0x11: {  	v0 =	vimm.f32 $0.0e+00;
	s24 =	sshrl.u32 s6, $0x3;
	s9 =	sadd.s32 $0x8000, s6;
	s12 =	sadd.s32 $0x4A6A00, s12  }
.LBB2_1:
0x12: {  	[tilespmem:s3], [sflag:$0x3] =	stream.linear.gather [hbm4b:s5+s3], $0x1400, $0x38;
	[tilespmem:$0x1E800] =	vst v63  }
0x13: {  	_ =	swait.ge [sflag:s14], $0x1400  }
0x14: {  	[sflag:s14] =	ssyncset.done $0x0  }
0x15: {  	[sflag:s14] =	ssyncadd.s32 $0xFFFFEC00  }
0x16: {  	[tilespmem:s15], [sflag:$0x3] =	stream.linear.gather [hbm4b:s7+s3], $0x1400, $0x38;
	[tilespmem:$0x1E800] =	vst v63  }
0x17: {  	_ =	swait.ge [sflag:s14], $0x1400  }
0x18: {  	[sflag:s14] =	ssyncset.done $0x0  }
0x19: {  	s26 =	simm.s32 $0x0;
	s28 =	simm.s32 $0x200;
	[sflag:s14] =	ssyncadd.s32 $0xFFFFEC00  }
0x1a: {  	[tilespmem:s17], [sflag:$0x2] =	stream.indirect.gather [hbm4b:s4+s16], $0x80, s16, s16, $0xb8;
	[tilespmem:$0x1E800] =	vst v63  }
.LBB2_2:
0x1b: {  	p0 =	sne.s32 s28, $0xFE00;
	[tilespmem:s26+$0x2870] =	vst v0  }
0x1c: {  	[tilespmem:s26+$0x2800] =	vst v0  }
0x1d: {  	[tilespmem:s26+$0x2810] =	vst v0  }
.Ltmp0:
0x1e: {  	[tilespmem:s26+$0x2820] =	vst v0;
	(pc) =	sbr.rel @p0 .LBB2_2-.Ltmp0, $4  }
0x1f: {  	[tilespmem:s26+$0x2830] =	vst v0  }
0x20: {  	[tilespmem:s26+$0x2840] =	vst v0  }
0x21: {  	[tilespmem:s26+$0x2850] =	vst v0  }
0x22: {  	[tilespmem:s26+$0x2860] =	vst v0;
	s26 =	sshra.s32 s28, $0x2;
	s28 =	sadd.s32 $0x200, s28  }
0x23: {  	[tilespmem:s26+$0x2870] =	vst v0  }
0x24: {  	[tilespmem:s26+$0x2800] =	vst v0  }
0x25: {  	[tilespmem:s26+$0x2810] =	vst v0  }
0x26: {  	[tilespmem:s26+$0x2820] =	vst v0  }
0x27: {  	[tilespmem:s26+$0x2830] =	vst v0  }
0x28: {  	[tilespmem:s26+$0x2840] =	vst v0  }
0x29: {  	[tilespmem:s26+$0x2850] =	vst v0  }
0x2a: {  	[tilespmem:s26+$0x2860] =	vst v0  }
0x2b: {  	[spmem:s6] =	stream.linear.scatter [tilespmem:s18], [sflag:$0x3], $0x4000, $0x38;
	[tilespmem:$0x1E800] =	vst v63  }
0x2c: {  	_ =	swait.ge [sflag:s14], $0x4000  }
0x2d: {  	[sflag:s14] =	ssyncset.done $0x0  }
0x2e: {  	[sflag:s14] =	ssyncadd.s32 $0xFFFFC000  }
0x2f: {  	[spmem:s8] =	stream.linear.scatter [tilespmem:s18], [sflag:$0x3], $0x4000, $0x38;
	[tilespmem:$0x1E800] =	vst v63  }
0x30: {  	_ =	swait.ge [sflag:s14], $0x4000  }
0x31: {  	[sflag:s14] =	ssyncset.done $0x0  }
0x32: {  	[sflag:s14] =	ssyncadd.s32 $0xFFFFC000  }
0x33: {  	[spmem:s9] =	stream.linear.scatter [tilespmem:s18], [sflag:$0x3], $0x4000, $0x38;
	[tilespmem:$0x1E800] =	vst v63  }
0x34: {  	_ =	swait.ge [sflag:s14], $0x4000  }
0x35: {  	[sflag:s14] =	ssyncset.done $0x0  }
0x36: {  	[sflag:s14] =	ssyncadd.s32 $0xFFFFC000  }
0x37: {  	[spmem:s10] =	stream.linear.scatter [tilespmem:s18], [sflag:$0x3], $0x4000, $0x38;
	[tilespmem:$0x1E800] =	vst v63  }
0x38: {  	_ =	swait.ge [sflag:s14], $0x4000  }
0x39: {  	[sflag:s14] =	ssyncset.done $0x0  }
0x3a: {  	[sflag:s14] =	ssyncadd.s32 $0xFFFFC000  }
0x3b: {  	[spmem:s11] =	stream.linear.scatter [tilespmem:s18], [sflag:$0x3], $0x4000, $0x38;
	[tilespmem:$0x1E800] =	vst v63  }
0x3c: {  	_ =	swait.ge [sflag:s14], $0x4000  }
0x3d: {  	[sflag:s14] =	ssyncset.done $0x0  }
0x3e: {  	s31 =	simm.s32 $0x0;
	[sflag:s14] =	ssyncadd.s32 $0xFFFFC000  }
0x3f: {  	[tilespmem:s18], [sflag:$0x1] =	stream.indirect.gather [hbm4b:s4+s16], $0x80, s31, s16, $0xb8;
	[tilespmem:$0x1E800] =	vst v63  }
0x40: {  	[bflag:$0x0] =	sbarrier.arrive $0xFFFF  }
0x41: {  	_ =	swait.ge [sflag:s19], $0x4000  }
0x42: {  	[sflag:s19] =	ssyncset.done $0x0  }
0x43: {  	s29 =	simm.s32 $0x1400;
	[sflag:s19] =	ssyncadd.s32 $0xFFFFC000  }
0x44: {  	[spmem:s2] =	stream.indirect.scatter.add.f32 [tilespmem:s18], [sflag:$0x3], $0x80, s29, s16, $0xb8;
	[tilespmem:$0x1E800] =	vst v63  }
0x45: {  	_ =	swait.ge [sflag:s14], $0x4000  }
0x46: {  	[sflag:s14] =	ssyncset.done $0x0  }
0x47: {  	s30 =	simm.s32 $0x100;
	[sflag:s14] =	ssyncadd.s32 $0xFFFFC000  }
0x48: {  	[tilespmem:s18], [sflag:$0x1] =	stream.indirect.gather [hbm4b:s4+s16], $0x80, s30, s16, $0xb8;
	[tilespmem:$0x1E800] =	vst v63  }
0x49: {  	_ =	swait.ge [sflag:s20], $0x4000  }
0x4a: {  	[sflag:s20] =	ssyncset.done $0x0  }
0x4b: {  	s31 =	simm.s32 $0x1480;
	[sflag:s20] =	ssyncadd.s32 $0xFFFFC000  }
0x4c: {  	[spmem:s2] =	stream.indirect.scatter.add.f32 [tilespmem:s17], [sflag:$0x3], $0x80, s31, s16, $0xb8;
	[tilespmem:$0x1E800] =	vst v63  }
0x4d: {  	_ =	swait.ge [sflag:s14], $0x4000  }
0x4e: {  	[sflag:s14] =	ssyncset.done $0x0  }
0x4f: {  	s26 =	simm.s32 $0x400;
	s28 =	simm.s32 $0x180;
	[sflag:s14] =	ssyncadd.s32 $0xFFFFC000  }
.LBB2_4:
0x50: {  	[tilespmem:s17], [sflag:$0x2] =	stream.indirect.gather [hbm4b:s4+s16], $0x80, s28, s16, $0xb8;
	[tilespmem:$0x1E800] =	vst v63  }
0x51: {  	s28 =	smov.u32 s26  }
0x52: {  	p0 =	sne.s32 s26, $0x4800;
	s26 =	sadd.s32 $0x400, s26;
	_ =	swait.ge [sflag:s19], $0x4000  }
0x53: {  	s28 =	sshra.s32 s28, $0x2;
	[sflag:s19] =	ssyncset.done $0x0  }
0x54: {  	s29 =	sadd.s32 $0x1400, s28;
	[sflag:s19] =	ssyncadd.s32 $0xFFFFC000  }
0x55: {  	[spmem:s2] =	stream.indirect.scatter.add.f32 [tilespmem:s18], [sflag:$0x3], $0x80, s29, s16, $0xb8;
	[tilespmem:$0x1E800] =	vst v63  }
0x56: {  	_ =	swait.ge [sflag:s14], $0x4000  }
0x57: {  	[sflag:s14] =	ssyncset.done $0x0  }
0x58: {  	s29 =	sadd.s32 $0x100, s28;
	[sflag:s14] =	ssyncadd.s32 $0xFFFFC000  }
0x59: {  	[tilespmem:s18], [sflag:$0x1] =	stream.indirect.gather [hbm4b:s4+s16], $0x80, s29, s16, $0xb8;
	[tilespmem:$0x1E800] =	vst v63  }
0x5a: {  	_ =	swait.ge [sflag:s20], $0x4000  }
0x5b: {  	[sflag:s20] =	ssyncset.done $0x0  }
.Ltmp1:
0x5c: {  	s29 =	sadd.s32 $0x1480, s28;
	[sflag:s20] =	ssyncadd.s32 $0xFFFFC000;
	(pc) =	sbr.rel @p0 .LBB2_4-.Ltmp1, $4  }
0x5d: {  	[spmem:s2] =	stream.indirect.scatter.add.f32 [tilespmem:s17], [sflag:$0x3], $0x80, s29, s16, $0xb8;
	[tilespmem:$0x1E800] =	vst v63  }
0x5e: {  	_ =	swait.ge [sflag:s14], $0x4000  }
0x5f: {  	[sflag:s14] =	ssyncset.done $0x0  }
0x60: {  	s28 =	sadd.s32 $0x180, s28;
	[sflag:s14] =	ssyncadd.s32 $0xFFFFC000  }
0x61: {  	[tilespmem:s17], [sflag:$0x2] =	stream.indirect.gather [hbm4b:s4+s16], $0x80, s28, s16, $0xb8;
	[tilespmem:$0x1E800] =	vst v63  }
0x62: {  	_ =	swait.ge [sflag:s19], $0x4000  }
0x63: {  	[sflag:s19] =	ssyncset.done $0x0  }
0x64: {  	[sflag:s19] =	ssyncadd.s32 $0xFFFFC000  }
0x65: {  	[spmem:s2] =	stream.indirect.scatter.add.f32 [tilespmem:s18], [sflag:$0x3], $0x80, s21, s16, $0xb8;
	[tilespmem:$0x1E800] =	vst v63  }
0x66: {  	_ =	swait.ge [sflag:s14], $0x4000  }
0x67: {  	[sflag:s14] =	ssyncset.done $0x0  }
0x68: {  	[sflag:s14] =	ssyncadd.s32 $0xFFFFC000  }
0x69: {  	_ =	swait.ge [sflag:s20], $0x4000  }
0x6a: {  	[sflag:s20] =	ssyncset.done $0x0  }
0x6b: {  	[sflag:s20] =	ssyncadd.s32 $0xFFFFC000  }
0x6c: {  	[spmem:s2] =	stream.indirect.scatter.add.f32 [tilespmem:s17], [sflag:$0x3], $0x80, s22, s16, $0xb8;
	[tilespmem:$0x1E800] =	vst v63  }
0x6d: {  	_ =	swait.ge [sflag:s14], $0x4000  }
0x6e: {  	s25 =	sadd.s32 $0x1, s25;
	[sflag:s14] =	ssyncset.done $0x0  }
0x6f: {  	p0 =	sne.s32 s25, s13;
	[sflag:s14] =	ssyncadd.s32 $0xFFFFC000  }
.Ltmp2:
0x70: {  	[bflag:$0x0] =	sbarrier.arrive $0xFFFF;
	(pc) =	sbr.rel @p0 .LBB2_1-.Ltmp2, $4  }
0x71: {  	[hbm:s12], [sflag:s23] =	dma.local [spmem:s24], $0x2800  }
0x72: {  	_ =	swait.ge [sflag:s14], $0x2800  }
0x73: {  	[sflag:s14] =	ssyncset.done $0x0  }
0x74: {  	[sflag:s14] =	ssyncadd.s32 $0xFFFFD800  }
0x75: {  	_ =	sfence.sel $0x180000  }
0x76: {  	[bflag:$0x0] =	sbarrier.arrive $0xFFFF  }
0x77: {  	p0 =	sne.s32 s1, $0x0;
	_ =	strace $0x9000004A  }
0x78: {  	s0 =	sadd.s32 @!p0 $0x100000, s0;
	[bflag:$0x2] =	sbarrier.arrive $0xFFFF  }
0x79: {  	[sflag:s0] =	ssyncadd.tile.s32 @!p0 $0x1;
	_ =	shalt  }
.Lfunc_end2:
_tile_overlayer_lowered:
.L_overlay_start_2:
0x7a: {  	(tag) =	ssettag $0x2  }
0x7b: {  	s0 =	rddreg [dreg:$0x0];
	s2 =	stileid.u32  }
0x7c: {  	s1 =	rddreg [dreg:$0x1];
	p0 =	sne.s32 s2, $0x0  }
0x7d: {  	s3 =	rddreg [dreg:$0x2];
	[bflag:$0x3] =	sbarrier.arrive $0xFFFF;
	s2 =	simm.s32 @!p0 $0x1C03  }
0x7e: {  	[timem:s3], [sflag:s2] =	dma.local @!p0 [hbm:s0], s1  }
0x7f: {  	s0 =	simm.s32 @!p0 $0x3  }
0x80: {  	_ =	swait.ge @!p0 [sflag:s0], s1  }
0x81: {  	s1 =	ssub.s32 @!p0 $0x0, s1;
	[sflag:s0] =	ssyncset.done @!p0 $0x0  }
0x82: {  	[sflag:s0] =	ssyncadd.s32 @!p0 s1  }
0x83: {  	[bflag:$0x3] =	sbarrier.arrive $0xFFFF  }
0x84: {  	_ =	shalt  }

// kernel: kernel.9.cloned.1.call-start
scs
__scs_entry_jumppad:
0x0: {  	(pc) =	sbr.rel $0x88, $3  }
0x1: {  	(tag) =	ssettag $0x0;
	lr =	simm.s32 $0x1  }
0x2: {  	[smem:$0x3F9C] =	sst lr;
	_ =	strace $0xD0000000  }
0x3: {  	_ = 	snop  }
0x4: {  	_ = 	snop  }
0x5: {  	_ = 	snop  }
0x6: {  	_ = 	snop  }
0x7: {  	_ = 	snop  }
__scs_overlays_trampoline_lowered:
0x8: {  	[smem:$0x3FAB] =	sst s0  }
0x9: {  	[smem:$0x3FAC] =	sst s1  }
0xa: {  	[smem:$0x3FAD] =	sst s2  }
0xb: {  	[smem:$0x3FAE] =	sst s3  }
0xc: {  	[smem:$0x3FAF] =	sst s4  }
0xd: {  	[smem:$0x3FB0] =	sst s5  }
0xe: {  	[smem:$0x3FB1] =	sst s6  }
0xf: {  	[smem:$0x3FB2] =	sst s7  }
0x10: {  	[smem:$0x3FB3] =	sst s8  }
0x11: {  	[smem:$0x3FB4] =	sst s9;
	s0 =	simm.s32 @!p0 $0x0  }
0x12: {  	s1 =	sld [smem:$0x3F9A];
	s0 =	simm.s32 @p0 $0x1  }
0x13: {  	[smem:$0x3FB5] =	sst s0;
	s0 =	simm.s32 @!p1 $0x0  }
0x14: {  	s2 =	sld [smem:$0x3F99];
	s0 =	simm.s32 @p1 $0x1  }
0x15: {  	[smem:$0x3FB6] =	sst s0;
	s0 =	simm.s32 @!p2 $0x0  }
0x16: {  	s3 =	sld [smem:$0x3FDB];
	s0 =	simm.s32 @p2 $0x1  }
0x17: {  	s4 =	simm.s32 $0x1BF5;
	[smem:$0x3FB8] =	sst s0  }
0x18: {  	s0 =	sld [smem:$0x3F9B];
	_ =	swait.ge [sflag:s4], $0x0  }
0x19: {  	s7 =	sld [smem:$0x3F9C]  }
0x1a: {  	s8 =	sadd.s32 $0xFFFFE003, lr  }
0x1b: {  	s9 =	sadd.s32 $0xFFFFFEF7, lr;
	s5 =	simm.s32 $0xFFFFFFFF;
	p2 =	slt.u32 s8, $0xFFFFF086  }
0x1c: {  	p1 =	slt.u32 s9, $0xF7A;
	s5 =	simm.s32 @!p2 $0x0  }
0x1d: {  	s5 =	simm.s32 @p1 $0x1;
	p0 =	seq.s32 s7, s2  }
0x1e: {  	s7 =	smul.u32 @!p0 $0xF7A, s2;
	p2 =	seq.s32 @!p0 s5, $0x0  }
0x1f: {  	s9 =	smul.u32 $0xF7A, s1;
	s8 =	simm.s32 @!p0 $0x1BF5;
	p2 =	por !p2, p0  }
0x20: {  	[sflag:s8] =	ssyncset.s32 @!p0 $0xFFFFF086;
	s6 =	sadd.s32 @!p0 s3, s7;
	s7 =	simm.s32 @!p0 $0x108  }
0x21: {  	s3 =	sadd.s32 s3, s9;
	s6 =	sadd.s32 @!p0 $0x88, s6;
	s7 =	simm.s32 @p2 $0x1082  }
0x22: {  	[simem:s7], [sflag:s8] =	dma.local @!p0 [hbm:s6], $0xF7A  }
0x23: {  	s9 =	sor.u32 $0xD0000000, s2;
	s6 =	simm.s32 $0x108;
	_ =	swait.ge @!p0 [sflag:s8], $0x0  }
0x24: {  	s3 =	sadd.s32 $0x88, s3;
	s6 =	simm.s32 @!p1 $0x1082;
	[sflag:s4] =	ssyncset.s32 $0xFFFFF086  }
0x25: {  	[simem:s6], [sflag:s4] =	dma.local [hbm:s3], $0xF7A  }
0x26: {  	[smem:$0x3F9C] =	sst s1;
	(tag) =	ssettag s2;
	_ =	strace s9  }
0x27: {  	s1 =	sld [smem:$0x3FAC]  }
0x28: {  	s2 =	sld [smem:$0x3FAD]  }
0x29: {  	s4 =	sld [smem:$0x3FAF]  }
0x2a: {  	p0 =	seq.s32 s5, $0x0;
	s5 =	sld [smem:$0x3FB0]  }
0x2b: {  	s6 =	sld [smem:$0x3FB1]  }
0x2c: {  	s7 =	sld [smem:$0x3FB2]  }
0x2d: {  	s3 =	simm.s32 $0x108;
	s8 =	sld [smem:$0x3FB3]  }
0x2e: {  	s3 =	simm.s32 @!p0 $0x1082;
	s9 =	sld [smem:$0x3FB4]  }
0x2f: {  	lr =	sadd.s32 s0, s3;
	s0 =	sld [smem:$0x3FAB]  }
0x30: {  	s3 =	sld [smem:$0x3FAE]  }
0x31: {  	[smem:$0x3FB7] =	sst s10  }
0x32: {  	s10 =	sld [smem:$0x3FB5];
	_ =	sdelay $0x3  }
0x33: {  	p0 =	seq.s32 s10, $0x1;
	s10 =	sld [smem:$0x3FB7];
	_ =	sdelay $0x3  }
0x34: {  	[smem:$0x3FB7] =	sst s10  }
0x35: {  	s10 =	sld [smem:$0x3FB6];
	_ =	sdelay $0x3  }
0x36: {  	p1 =	seq.s32 s10, $0x1;
	s10 =	sld [smem:$0x3FB7];
	_ =	sdelay $0x3  }
0x37: {  	[smem:$0x3FB7] =	sst s10  }
0x38: {  	s10 =	sld [smem:$0x3FB8]  }
0x39: {  	_ = 	snop;
	(pc) =	sbr.ind lr, $3  }
0x3a: {  	_ = 	snop  }
0x3b: {  	_ = 	snop  }
0x3c: {  	p2 =	seq.s32 s10, $0x1;
	s10 =	sld [smem:$0x3FB7]  }
0x3d: {  	_ =	shalt  }
0x3e: {  	_ =	shalt  }
0x3f: {  	_ =	shalt  }
0x40: {  	_ =	shalt  }
0x41: {  	_ =	shalt  }
0x42: {  	_ =	shalt  }
0x43: {  	_ =	shalt  }
0x44: {  	_ =	shalt  }
0x45: {  	_ =	shalt  }
0x46: {  	_ =	shalt  }
0x47: {  	_ =	shalt  }
0x48: {  	_ =	shalt  }
0x49: {  	_ =	shalt  }
0x4a: {  	_ =	shalt  }
0x4b: {  	_ =	shalt  }
0x4c: {  	_ =	shalt  }
0x4d: {  	_ =	shalt  }
0x4e: {  	_ =	shalt  }
0x4f: {  	_ =	shalt  }
0x50: {  	_ =	shalt  }
0x51: {  	_ =	shalt  }
0x52: {  	_ =	shalt  }
0x53: {  	_ =	shalt  }
0x54: {  	_ =	shalt  }
0x55: {  	_ =	shalt  }
0x56: {  	_ =	shalt  }
0x57: {  	_ =	shalt  }
0x58: {  	_ =	shalt  }
0x59: {  	_ =	shalt  }
0x5a: {  	_ =	shalt  }
0x5b: {  	_ =	shalt  }
0x5c: {  	_ =	shalt  }
0x5d: {  	_ =	shalt  }
0x5e: {  	_ =	shalt  }
0x5f: {  	_ =	shalt  }
0x60: {  	_ =	shalt  }
0x61: {  	_ =	shalt  }
0x62: {  	_ =	shalt  }
0x63: {  	_ =	shalt  }
0x64: {  	_ =	shalt  }
0x65: {  	_ =	shalt  }
0x66: {  	_ =	shalt  }
0x67: {  	_ =	shalt  }
0x68: {  	_ =	shalt  }
0x69: {  	_ =	shalt  }
0x6a: {  	_ =	shalt  }
0x6b: {  	_ =	shalt  }
0x6c: {  	_ =	shalt  }
0x6d: {  	_ =	shalt  }
0x6e: {  	_ =	shalt  }
0x6f: {  	_ =	shalt  }
0x70: {  	_ =	shalt  }
0x71: {  	_ =	shalt  }
0x72: {  	_ =	shalt  }
0x73: {  	_ =	shalt  }
0x74: {  	_ =	shalt  }
0x75: {  	_ =	shalt  }
0x76: {  	_ =	shalt  }
0x77: {  	_ =	shalt  }
0x78: {  	_ =	shalt  }
0x79: {  	_ =	shalt  }
0x7a: {  	_ =	shalt  }
0x7b: {  	_ =	shalt  }
0x7c: {  	_ =	shalt  }
0x7d: {  	_ =	shalt  }
0x7e: {  	_ =	shalt  }
0x7f: {  	_ =	shalt  }
0x80: {  	_ =	shalt  }
0x81: {  	_ =	shalt  }
0x82: {  	_ =	shalt  }
0x83: {  	_ =	shalt  }
0x84: {  	_ =	shalt  }
0x85: {  	_ =	shalt  }
0x86: {  	_ =	shalt  }
0x87: {  	_ =	shalt  }
.Lfunc_end0:
.L_simem_size_0:
called_computation_lowered:
.L_overlay_start_0:
0x88: {  	s2 =	sld [smem:$0x3FD9]  }
0x89: {  	s3 =	sld [smem:$0x3FFE];
	_ =	sdelay $0x1  }
0x8a: {  	s1 =	srdreg.scid  }
0x8b: {  	s0 =	sand.u32 $0x1, s1  }
0x8c: {  	s17 =	sshll.u32 s0, $0xA;
	s2 =	sadd.s32 s3, s2  }
0x8d: {  	s2 =	sadd.s32 s2, s17  }
0x8e: {  	[smem:$0x3FC3] =	sst s2  }
0x8f: {  	_ = 	snop  }
0x90: {  	s2 =	sld [smem:$0x3FD0];
	(tm) =	ssettm $0x1  }
0x91: {  	s18 =	sld [smem:$0x3FFB];
	_ =	sdelay $0x3  }
0x92: {  	_ =	strace s18  }
0x93: {  	s3 =	sld [smem:$0x3FFC];
	_ =	sdelay $0x3  }
0x94: {  	_ =	strace s3  }
0x95: {  	s3 =	sld [smem:$0x3FFD];
	_ =	sdelay $0x3  }
0x96: {  	_ =	strace s3  }
0x97: {  	_ =	strace $0x8FFFFFFF  }
0x98: {  	s19 =	sld [smem:$0x3FDB];
	_ =	sdelay $0x1  }
0x99: {  	s4 =	simm.s32 $_scs_section_size  }
0x9a: {  	s5 =	simm.s32 $_size__tile_overlayer_lowered;
	s6 =	simm.s32 $_tile_overlayer_lowered  }
0x9b: {  	s22 =	simm.s32 $0x1BFF;
	s21 =	sshll.u32 s6, $0x1;
	s3 =	sadd.s32 s4, s19  }
0x9c: {  	s7 =	simm.s32 $0x0;
	s20 =	sshll.u32 s5, $0x1;
	s5 =	sadd.s32 s21, s3  }
0x9d: {  	[timem:s7], [sflag:s22] =	dma.local [hbm:s5], s20  }
0x9e: {  	_ =	swait.ge [sflag:s22], s20  }
0x9f: {  	s4 =	ssub.s32 $0x0, s20;
	[sflag:s22] =	ssyncset.done $0x0  }
0xa0: {  	[sflag:s22] =	ssyncadd.s32 s4;
	_ =	sdelay $0x1  }
0xa1: {  	s23 =	simm.s32 $0x1B8B  }
0xa2: {  	_ =	swait.ge [sflag:s23], $0x1  }
0xa3: {  	[sflag:s23] =	ssyncset.done $0x0  }
0xa4: {  	s25 =	simm.s32 $0x1B8E;
	s24 =	sld [smem:$0x3FFE];
	[sflag:s23] =	ssyncadd.s32 $0xFFFFFFFF  }
0xa5: {  	s26 =	simm.s32 $execute0_lowered;
	[smem:$0x3FD2] =	sst s25  }
0xa6: {  	s5 =	sshll.u32 s26, $0x1;
	_ =	strace $0x80000046;
	[dreg:$0x1] =	wrdreg $0xFFFFFFFF  }
0xa7: {  	s28 =	simm.s32 $_size_execute0_lowered;
	s3 =	sadd.s32 s3, s5;
	[dreg:$0x0] =	wrdreg $0x0  }
0xa8: {  	s5 =	sshll.u32 s28, $0x1;
	[dreg:$0x2] =	wrdreg s3  }
0xa9: {  	[dreg:$0x3] =	wrdreg s5  }
0xaa: {  	[dreg:$0x4] =	wrdreg $0xC0  }
0xab: {  	_ =	task [dreg:s7], $0x5FFFF  }
0xac: {  	[dreg:$0x1] =	wrdreg $0xFFFFFFFF  }
0xad: {  	[dreg:$0x0] =	wrdreg $0x60  }
0xae: {  	[dreg:$0x2] =	wrdreg s24  }
0xaf: {  	[dreg:$0x3] =	wrdreg s2  }
0xb0: {  	[dreg:$0x4] =	wrdreg $0xA8000  }
0xb1: {  	[dreg:$0x5] =	wrdreg $0x9  }
0xb2: {  	_ =	task.clear_ibuf [dreg:s7], $0x6FFFF;
	_ =	strace $0x90000046  }
0xb3: {  	s29 =	simm.s32 $0x9;
	_ =	strace $0x80000048  }
0xb4: {  	_ =	swait.ge [sflag:s29], $0x1  }
0xb5: {  	[sflag:s29] =	ssyncadd.s32 $0xFFFFFFFF  }
0xb6: {  	_ =	strace $0x90000048  }
0xb7: {  	_ =	sfence  }
0xb8: {  	s30 =	sld [smem:$0x0];
	_ =	sdelay $0x2  }
0xb9: {  	s31 =	sshll.u32 s1, $0xD;
	s1 =	sshrl.u32 s1, $0x2  }
0xba: {  	s3 =	sand.u32 $0x4000, s31;
	s1 =	sadd.s32 s1, s30  }
0xbb: {  	s0 =	sor.u32 s3, s0;
	s1 =	sshll.u32 s1, $0x11  }
0xbc: {  	s0 =	sor.u32 s1, s0  }
0xbd: {  	s0 =	sadd.s32 $0x8F2B, s0  }
0xbe: {  	[sflag:s0] =	ssyncadd.remote.s32 $0x1  }
0xbf: {  	_ =	sfence.sel $0xFFFF  }
0xc0: {  	[dreg:$0x0] =	wrdreg $0xFFFFFFFF;
	(pc) =	sbr.abs _section_cstart, $3  }
0xc1: {  	[dreg:$0x1] =	wrdreg $0xFFFFFFFF  }
0xc2: {  	_ =	task.clear_ibuf [dreg:s7], $0x2FFFF;
	_ =	strace $0x9FFFFFFF  }
0xc3: {  	(tm) =	ssettm $0x7FFFFFFF  }
tec
execute0_lowered:
.L_overlay_start_1:
0x0: {  	(tag) =	ssettag $0x1  }
0x1: {  	s6 =	rddreg [dreg:$0x0]  }
0x2: {  	s7 =	rddreg [dreg:$0x1]  }
0x3: {  	s0 =	srdreg.scid;
	s2 =	rddreg [dreg:$0x2];
	s3 =	simm.s32 $0x0  }
0x4: {  	s15 =	simm.s32 $0x1400;
	s16 =	simm.s32 $0x80;
	s17 =	simm.s32 $0x6800  }
0x5: {  	s18 =	simm.s32 $0x2800;
	s19 =	simm.s32 $0x1;
	s20 =	simm.s32 $0x2  }
0x6: {  	s21 =	simm.s32 $0x2700;
	s22 =	simm.s32 $0x2780;
	s5 =	sand.u32 $0x1, s0  }
0x7: {  	s25 =	simm.s32 $0x0;
	s0 =	stileid.u32;
	s9 =	smul.u32 $0x140000, s5  }
0x8: {  	[smem:$0x7FF] =	sst s3;
	s4 =	sadd.s32 $0x6E00, s6;
	s10 =	smul.u32 $0x14000, s0  }
0x9: {  	s1 =	sshll.u32 s5, $0x4;
	s11 =	smul.u32 $0x50000, s0;
	s5 =	ssub.s32 $0x2, s5  }
0xa: {  	s23 =	sshll.u32 s0, $0x6;
	s1 =	sor.u32 s0, s1;
	s31 =	sshrl.u32 s5, $0x1  }
0xb: {  	s23 =	sor.u32 $0x1C03, s23;
	s8 =	smul.u32 $0x280, s1;
	s1 =	rddreg [dreg:$0x3]  }
0xc: {  	_ =	strace $0x80000047;
	s9 =	sadd.s32 s10, s9;
	s11 =	sshrl.u32 s11, $0x2  }
0xd: {  	s14 =	ssub.s32 s5, s31;
	s9 =	sshrl.u32 s9, $0x3;
	s5 =	sadd.s32 s11, s2  }
0xe: {  	s12 =	sadd.s32 s8, s6;
	s13 =	sadd.s32 s9, s6;
	s7 =	sadd.s32 s7, s8  }
0xf: {  	s8 =	sadd.s32 $0x4000, s5;
	s9 =	sadd.s32 $0x8000, s5;
	s10 =	sadd.s32 $0xC000, s5  }
0x10: {  	s11 =	sadd.s32 $0x10000, s5;
	s24 =	sshrl.u32 s5, $0x3;
	s6 =	sadd.s32 $0x1E00, s12  }
0x11: {  	v0 =	vimm.f32 $0.0e+00;
	s12 =	sadd.s32 $0x229C00, s13;
	s13 =	smax.u32 s14, $0x1;
	s14 =	simm.s32 $0x3  }
.LBB2_1:
0x12: {  	[tilespmem:s3], [sflag:$0x3] =	stream.linear.gather [hbm4b:s6+s3], $0x1400, $0x38;
	[tilespmem:$0x1E800] =	vst v63  }
0x13: {  	_ =	swait.ge [sflag:s14], $0x1400  }
0x14: {  	[sflag:s14] =	ssyncset.done $0x0  }
0x15: {  	[sflag:s14] =	ssyncadd.s32 $0xFFFFEC00  }
0x16: {  	[tilespmem:s15], [sflag:$0x3] =	stream.linear.gather [hbm4b:s7+s3], $0x1400, $0x38;
	[tilespmem:$0x1E800] =	vst v63  }
0x17: {  	_ =	swait.ge [sflag:s14], $0x1400  }
0x18: {  	[sflag:s14] =	ssyncset.done $0x0  }
0x19: {  	s26 =	simm.s32 $0x0;
	s28 =	simm.s32 $0x200;
	[sflag:s14] =	ssyncadd.s32 $0xFFFFEC00  }
0x1a: {  	[tilespmem:s17], [sflag:$0x2] =	stream.indirect.gather [hbm4b:s4+s16], $0x80, s16, s16, $0xb8;
	[tilespmem:$0x1E800] =	vst v63  }
.LBB2_2:
0x1b: {  	p0 =	sne.s32 s28, $0xFE00;
	[tilespmem:s26+$0x2870] =	vst v0  }
0x1c: {  	[tilespmem:s26+$0x2800] =	vst v0  }
0x1d: {  	[tilespmem:s26+$0x2810] =	vst v0  }
.Ltmp0:
0x1e: {  	[tilespmem:s26+$0x2820] =	vst v0;
	(pc) =	sbr.rel @p0 .LBB2_2-.Ltmp0, $4  }
0x1f: {  	[tilespmem:s26+$0x2830] =	vst v0  }
0x20: {  	[tilespmem:s26+$0x2840] =	vst v0  }
0x21: {  	[tilespmem:s26+$0x2850] =	vst v0  }
0x22: {  	[tilespmem:s26+$0x2860] =	vst v0;
	s26 =	sshra.s32 s28, $0x2;
	s28 =	sadd.s32 $0x200, s28  }
0x23: {  	[tilespmem:s26+$0x2870] =	vst v0  }
0x24: {  	[tilespmem:s26+$0x2800] =	vst v0  }
0x25: {  	[tilespmem:s26+$0x2810] =	vst v0  }
0x26: {  	[tilespmem:s26+$0x2820] =	vst v0  }
0x27: {  	[tilespmem:s26+$0x2830] =	vst v0  }
0x28: {  	[tilespmem:s26+$0x2840] =	vst v0  }
0x29: {  	[tilespmem:s26+$0x2850] =	vst v0  }
0x2a: {  	[tilespmem:s26+$0x2860] =	vst v0  }
0x2b: {  	[spmem:s5] =	stream.linear.scatter [tilespmem:s18], [sflag:$0x3], $0x4000, $0x38;
	[tilespmem:$0x1E800] =	vst v63  }
0x2c: {  	_ =	swait.ge [sflag:s14], $0x4000  }
0x2d: {  	[sflag:s14] =	ssyncset.done $0x0  }
0x2e: {  	[sflag:s14] =	ssyncadd.s32 $0xFFFFC000  }
0x2f: {  	[spmem:s8] =	stream.linear.scatter [tilespmem:s18], [sflag:$0x3], $0x4000, $0x38;
	[tilespmem:$0x1E800] =	vst v63  }
0x30: {  	_ =	swait.ge [sflag:s14], $0x4000  }
0x31: {  	[sflag:s14] =	ssyncset.done $0x0  }
0x32: {  	[sflag:s14] =	ssyncadd.s32 $0xFFFFC000  }
0x33: {  	[spmem:s9] =	stream.linear.scatter [tilespmem:s18], [sflag:$0x3], $0x4000, $0x38;
	[tilespmem:$0x1E800] =	vst v63  }
0x34: {  	_ =	swait.ge [sflag:s14], $0x4000  }
0x35: {  	[sflag:s14] =	ssyncset.done $0x0  }
0x36: {  	[sflag:s14] =	ssyncadd.s32 $0xFFFFC000  }
0x37: {  	[spmem:s10] =	stream.linear.scatter [tilespmem:s18], [sflag:$0x3], $0x4000, $0x38;
	[tilespmem:$0x1E800] =	vst v63  }
0x38: {  	_ =	swait.ge [sflag:s14], $0x4000  }
0x39: {  	[sflag:s14] =	ssyncset.done $0x0  }
0x3a: {  	[sflag:s14] =	ssyncadd.s32 $0xFFFFC000  }
0x3b: {  	[spmem:s11] =	stream.linear.scatter [tilespmem:s18], [sflag:$0x3], $0x4000, $0x38;
	[tilespmem:$0x1E800] =	vst v63  }
0x3c: {  	_ =	swait.ge [sflag:s14], $0x4000  }
0x3d: {  	[sflag:s14] =	ssyncset.done $0x0  }
0x3e: {  	s31 =	simm.s32 $0x0;
	[sflag:s14] =	ssyncadd.s32 $0xFFFFC000  }
0x3f: {  	[tilespmem:s18], [sflag:$0x1] =	stream.indirect.gather [hbm4b:s4+s16], $0x80, s31, s16, $0xb8;
	[tilespmem:$0x1E800] =	vst v63  }
0x40: {  	[bflag:$0x0] =	sbarrier.arrive $0xFFFF  }
0x41: {  	_ =	swait.ge [sflag:s19], $0x4000  }
0x42: {  	[sflag:s19] =	ssyncset.done $0x0  }
0x43: {  	s29 =	simm.s32 $0x1400;
	[sflag:s19] =	ssyncadd.s32 $0xFFFFC000  }
0x44: {  	[spmem:s2] =	stream.indirect.scatter.add.f32 [tilespmem:s18], [sflag:$0x3], $0x80, s29, s16, $0xb8;
	[tilespmem:$0x1E800] =	vst v63  }
0x45: {  	_ =	swait.ge [sflag:s14], $0x4000  }
0x46: {  	[sflag:s14] =	ssyncset.done $0x0  }
0x47: {  	s30 =	simm.s32 $0x100;
	[sflag:s14] =	ssyncadd.s32 $0xFFFFC000  }
0x48: {  	[tilespmem:s18], [sflag:$0x1] =	stream.indirect.gather [hbm4b:s4+s16], $0x80, s30, s16, $0xb8;
	[tilespmem:$0x1E800] =	vst v63  }
0x49: {  	_ =	swait.ge [sflag:s20], $0x4000  }
0x4a: {  	[sflag:s20] =	ssyncset.done $0x0  }
0x4b: {  	s31 =	simm.s32 $0x1480;
	[sflag:s20] =	ssyncadd.s32 $0xFFFFC000  }
0x4c: {  	[spmem:s2] =	stream.indirect.scatter.add.f32 [tilespmem:s17], [sflag:$0x3], $0x80, s31, s16, $0xb8;
	[tilespmem:$0x1E800] =	vst v63  }
0x4d: {  	_ =	swait.ge [sflag:s14], $0x4000  }
0x4e: {  	[sflag:s14] =	ssyncset.done $0x0  }
0x4f: {  	s26 =	simm.s32 $0x400;
	s28 =	simm.s32 $0x180;
	[sflag:s14] =	ssyncadd.s32 $0xFFFFC000  }
.LBB2_4:
0x50: {  	[tilespmem:s17], [sflag:$0x2] =	stream.indirect.gather [hbm4b:s4+s16], $0x80, s28, s16, $0xb8;
	[tilespmem:$0x1E800] =	vst v63  }
0x51: {  	s28 =	smov.u32 s26  }
0x52: {  	p0 =	sne.s32 s26, $0x4800;
	s26 =	sadd.s32 $0x400, s26;
	_ =	swait.ge [sflag:s19], $0x4000  }
0x53: {  	s28 =	sshra.s32 s28, $0x2;
	[sflag:s19] =	ssyncset.done $0x0  }
0x54: {  	s29 =	sadd.s32 $0x1400, s28;
	[sflag:s19] =	ssyncadd.s32 $0xFFFFC000  }
0x55: {  	[spmem:s2] =	stream.indirect.scatter.add.f32 [tilespmem:s18], [sflag:$0x3], $0x80, s29, s16, $0xb8;
	[tilespmem:$0x1E800] =	vst v63  }
0x56: {  	_ =	swait.ge [sflag:s14], $0x4000  }
0x57: {  	[sflag:s14] =	ssyncset.done $0x0  }
0x58: {  	s29 =	sadd.s32 $0x100, s28;
	[sflag:s14] =	ssyncadd.s32 $0xFFFFC000  }
0x59: {  	[tilespmem:s18], [sflag:$0x1] =	stream.indirect.gather [hbm4b:s4+s16], $0x80, s29, s16, $0xb8;
	[tilespmem:$0x1E800] =	vst v63  }
0x5a: {  	_ =	swait.ge [sflag:s20], $0x4000  }
0x5b: {  	[sflag:s20] =	ssyncset.done $0x0  }
.Ltmp1:
0x5c: {  	s29 =	sadd.s32 $0x1480, s28;
	[sflag:s20] =	ssyncadd.s32 $0xFFFFC000;
	(pc) =	sbr.rel @p0 .LBB2_4-.Ltmp1, $4  }
0x5d: {  	[spmem:s2] =	stream.indirect.scatter.add.f32 [tilespmem:s17], [sflag:$0x3], $0x80, s29, s16, $0xb8;
	[tilespmem:$0x1E800] =	vst v63  }
0x5e: {  	_ =	swait.ge [sflag:s14], $0x4000  }
0x5f: {  	[sflag:s14] =	ssyncset.done $0x0  }
0x60: {  	s28 =	sadd.s32 $0x180, s28;
	[sflag:s14] =	ssyncadd.s32 $0xFFFFC000  }
0x61: {  	[tilespmem:s17], [sflag:$0x2] =	stream.indirect.gather [hbm4b:s4+s16], $0x80, s28, s16, $0xb8;
	[tilespmem:$0x1E800] =	vst v63  }
0x62: {  	_ =	swait.ge [sflag:s19], $0x4000  }
0x63: {  	[sflag:s19] =	ssyncset.done $0x0  }
0x64: {  	[sflag:s19] =	ssyncadd.s32 $0xFFFFC000  }
0x65: {  	[spmem:s2] =	stream.indirect.scatter.add.f32 [tilespmem:s18], [sflag:$0x3], $0x80, s21, s16, $0xb8;
	[tilespmem:$0x1E800] =	vst v63  }
0x66: {  	_ =	swait.ge [sflag:s14], $0x4000  }
0x67: {  	[sflag:s14] =	ssyncset.done $0x0  }
0x68: {  	[sflag:s14] =	ssyncadd.s32 $0xFFFFC000  }
0x69: {  	_ =	swait.ge [sflag:s20], $0x4000  }
0x6a: {  	[sflag:s20] =	ssyncset.done $0x0  }
0x6b: {  	[sflag:s20] =	ssyncadd.s32 $0xFFFFC000  }
0x6c: {  	[spmem:s2] =	stream.indirect.scatter.add.f32 [tilespmem:s17], [sflag:$0x3], $0x80, s22, s16, $0xb8;
	[tilespmem:$0x1E800] =	vst v63  }
0x6d: {  	_ =	swait.ge [sflag:s14], $0x4000  }
0x6e: {  	s25 =	sadd.s32 $0x1, s25;
	[sflag:s14] =	ssyncset.done $0x0  }
0x6f: {  	p0 =	sne.s32 s25, s13;
	[sflag:s14] =	ssyncadd.s32 $0xFFFFC000  }
.Ltmp2:
0x70: {  	[bflag:$0x0] =	sbarrier.arrive $0xFFFF;
	(pc) =	sbr.rel @p0 .LBB2_1-.Ltmp2, $4  }
0x71: {  	[hbm:s12], [sflag:s23] =	dma.local [spmem:s24], $0x2800  }
0x72: {  	_ =	swait.ge [sflag:s14], $0x2800  }
0x73: {  	[sflag:s14] =	ssyncset.done $0x0  }
0x74: {  	[sflag:s14] =	ssyncadd.s32 $0xFFFFD800  }
0x75: {  	_ =	sfence.sel $0x180000  }
0x76: {  	[bflag:$0x0] =	sbarrier.arrive $0xFFFF  }
0x77: {  	p0 =	sne.s32 s0, $0x0;
	_ =	strace $0x90000047  }
0x78: {  	s0 =	sadd.s32 @!p0 $0x100000, s1;
	[bflag:$0x2] =	sbarrier.arrive $0xFFFF  }
0x79: {  	[sflag:s0] =	ssyncadd.tile.s32 @!p0 $0x1;
	_ =	shalt  }
.Lfunc_end2:
_tile_overlayer_lowered:
.L_overlay_start_2:
0x7a: {  	(tag) =	ssettag $0x2  }
0x7b: {  	s0 =	rddreg [dreg:$0x0];
	s2 =	stileid.u32  }
0x7c: {  	s1 =	rddreg [dreg:$0x1];
	p0 =	sne.s32 s2, $0x0  }
0x7d: {  	s3 =	rddreg [dreg:$0x2];
	[bflag:$0x3] =	sbarrier.arrive $0xFFFF;
	s2 =	simm.s32 @!p0 $0x1C03  }
0x7e: {  	[timem:s3], [sflag:s2] =	dma.local @!p0 [hbm:s0], s1  }
0x7f: {  	s0 =	simm.s32 @!p0 $0x3  }
0x80: {  	_ =	swait.ge @!p0 [sflag:s0], s1  }
0x81: {  	s1 =	ssub.s32 @!p0 $0x0, s1;
	[sflag:s0] =	ssyncset.done @!p0 $0x0  }
0x82: {  	[sflag:s0] =	ssyncadd.s32 @!p0 s1  }
0x83: {  	[bflag:$0x3] =	sbarrier.arrive $0xFFFF  }
0x84: {  	_ =	shalt  }

</sc_bundles>
